<compile_context>
chip_gen: v7x
topology: tpu7x:2x2x1
jax: 0.10.2.dev20260603
libtpu: 0.0.44.dev20260713+nightly
codegen_flags: <defaults>
</compile_context>

<pallas_src>
import functools

import jax
import jax.numpy as jnp
from jax import lax
from jax.experimental import pallas as pl
from jax.experimental.pallas import tpu as pltpu
from jax.experimental.pallas import tpu_sc as plsc

N = 10000
E = 320000
D = 128
DW = 16
NC, NS = 2, 16
NW = NC * NS
CHUNK = 128
CPW = 80
NBUF = 2
ISLOT = 4
E_PAD = NW * CPW * CHUNK
ROWS_PER_TILE = 632
NACC = NS * ROWS_PER_TILE


@functools.lru_cache(maxsize=None)
def _make_sc_agg(with_deg: bool):
    mesh = plsc.VectorSubcoreMesh(
        core_axis_name="c", subcore_axis_name="s", num_cores=NC, num_subcores=NS
    )
    out_type = [jax.ShapeDtypeStruct((NC, NACC, D), jnp.float32)]
    scratch = []
    scratch += [pltpu.VMEM((2, CHUNK), jnp.int32) for _ in range(ISLOT)]
    scratch += [pltpu.VMEM((CHUNK, D), jnp.float32) for _ in range(NBUF)]
    scratch += [
        pltpu.VMEM_SHARED((NACC, D), jnp.float32),
    ]
    scratch += [pltpu.SemaphoreType.DMA for _ in range(ISLOT)]
    scratch += [pltpu.SemaphoreType.DMA for _ in range(NBUF)]
    scratch += [pltpu.SemaphoreType.DMA for _ in range(NBUF)]
    if with_deg:
        out_type.append(jax.ShapeDtypeStruct((NC, NACC, DW), jnp.float32))
        scratch += [
            pltpu.VMEM((CHUNK, DW), jnp.float32),
            pltpu.VMEM_SHARED((NACC, DW), jnp.float32),
        ]

    @functools.partial(
        pl.kernel,
        out_type=tuple(out_type),
        mesh=mesh,
        scratch_types=tuple(scratch),
        compiler_params=pltpu.CompilerParams(use_tc_tiling_on_sc=False),
    )
    def sc_agg(table_hbm, ei_hbm, zrows_hbm, *rest):
        if with_deg:
            (ones_hbm, zdeg_hbm, out_hbm, deg_hbm, *rest2) = rest
        else:
            (out_hbm, *rest2) = rest
        ibuf = rest2[:ISLOT]
        rows = rest2[ISLOT:ISLOT + NBUF]
        p = ISLOT + NBUF
        acc = rest2[p]
        isem = rest2[p + 1:p + 1 + ISLOT]
        gsem = rest2[p + 1 + ISLOT:p + 1 + ISLOT + NBUF]
        ssem = rest2[p + 1 + ISLOT + NBUF:p + 1 + ISLOT + 2 * NBUF]
        if with_deg:
            onesbuf, dacc = rest2[p + 1 + ISLOT + 2 * NBUF:]
        c = lax.axis_index("c")
        s = lax.axis_index("s")
        wid = s * NC + c
        r0 = s * ROWS_PER_TILE
        base = wid * CPW

        pltpu.sync_copy(zrows_hbm, acc.at[pl.ds(r0, ROWS_PER_TILE)])
        if with_deg:
            pltpu.sync_copy(ones_hbm, onesbuf)
            pltpu.sync_copy(zdeg_hbm, dacc.at[pl.ds(r0, ROWS_PER_TILE)])
        plsc.subcore_barrier()

        def idx_start(ch, i):
            pltpu.async_copy(ei_hbm.at[base + ch], ibuf[i], isem[i])

        def idx_wait(ch, i):
            pltpu.make_async_copy(ei_hbm.at[base + ch], ibuf[i], isem[i]).wait()

        def scat_wait(ch, b, i):
            pltpu.make_async_copy(rows[b], acc.at[ibuf[i].at[1]], ssem[b]).wait()
            if with_deg:
                pltpu.make_async_copy(onesbuf, dacc.at[ibuf[i].at[1]],
                                      ssem[b]).wait()

        for ch in range(3):
            idx_start(ch, ch)
        idx_wait(0, 0)
        pltpu.async_copy(table_hbm.at[ibuf[0].at[0]], rows[0], gsem[0])

        def body(k, carry):
            for o in range(ISLOT):
                ch = ISLOT * k + o
                b = o % NBUF
                bn = (o + 1) % NBUF
                i = o
                inx = (o + 1) % ISLOT

                @pl.when(ch - 1 >= 0)
                def _():
                    scat_wait(ch - 1, bn, (o - 1) % ISLOT)

                @pl.when(ch + 3 < CPW)
                def _():
                    idx_start(ch + 3, (o + 3) % ISLOT)

                @pl.when(ch + 1 < CPW)
                def _():
                    idx_wait(ch + 1, inx)
                    pltpu.async_copy(table_hbm.at[ibuf[inx].at[0]], rows[bn],
                                     gsem[bn])

                pltpu.make_async_copy(table_hbm.at[ibuf[i].at[0]], rows[b],
                                      gsem[b]).wait()
                pltpu.async_copy(rows[b], acc.at[ibuf[i].at[1]], ssem[b],
                                 add=True)
                if with_deg:
                    pltpu.async_copy(onesbuf, dacc.at[ibuf[i].at[1]], ssem[b],
                                     add=True)
            return carry

        lax.fori_loop(0, CPW // ISLOT, body, 0)
        scat_wait(CPW - 1, (CPW - 1) % NBUF, (CPW - 1) % ISLOT)
        plsc.subcore_barrier()
        pltpu.sync_copy(acc.at[pl.ds(r0, ROWS_PER_TILE)],
                        out_hbm.at[c, pl.ds(r0, ROWS_PER_TILE)])
        if with_deg:
            pltpu.sync_copy(dacc.at[pl.ds(r0, ROWS_PER_TILE)],
                            deg_hbm.at[c, pl.ds(r0, ROWS_PER_TILE)])

    return sc_agg


def _tc1_body(acc_ref, deg_ref, x_ref, w1_ref, wr1_ref, b1_ref,
              h_ref, invdeg_ref):
    s = acc_ref[0] + acc_ref[1]
    deg = deg_ref[0, :, 0:1] + deg_ref[1, :, 0:1]
    inv = 1.0 / jnp.maximum(deg, 1.0)
    agg = jnp.dot(s, w1_ref[...], preferred_element_type=jnp.float32)
    root = jnp.dot(x_ref[...], wr1_ref[...], preferred_element_type=jnp.float32)
    h_ref[...] = jnp.maximum(agg * inv + root + b1_ref[...], 0.0)
    invdeg_ref[...] = inv


def _tc2_body(acc_ref, h_ref, invdeg_ref, w2_ref, wr2_ref, b2_ref, out_ref):
    s = acc_ref[0] + acc_ref[1]
    agg = jnp.dot(s, w2_ref[...], preferred_element_type=jnp.float32)
    root = jnp.dot(h_ref[...], wr2_ref[...], preferred_element_type=jnp.float32)
    out_ref[...] = agg * invdeg_ref[...] + root + b2_ref[...]


_R = 1000


def _tc_layer1(acc, deg, x, W1, Wr1, b1):
    return pl.pallas_call(
        _tc1_body,
        grid=(N // _R,),
        in_specs=[
            pl.BlockSpec((NC, _R, D), lambda i: (0, i, 0)),
            pl.BlockSpec((NC, _R, DW), lambda i: (0, i, 0)),
            pl.BlockSpec((_R, D), lambda i: (i, 0)),
            pl.BlockSpec((D, D), lambda i: (0, 0)),
            pl.BlockSpec((D, D), lambda i: (0, 0)),
            pl.BlockSpec((1, D), lambda i: (0, 0)),
        ],
        out_specs=[
            pl.BlockSpec((_R, D), lambda i: (i, 0)),
            pl.BlockSpec((_R, 1), lambda i: (i, 0)),
        ],
        out_shape=[
            jax.ShapeDtypeStruct((N, D), jnp.float32),
            jax.ShapeDtypeStruct((N, 1), jnp.float32),
        ],
    )(acc, deg, x, W1, Wr1, b1)


def _tc_layer2(acc, h, invdeg, W2, Wr2, b2):
    return pl.pallas_call(
        _tc2_body,
        grid=(N // _R,),
        in_specs=[
            pl.BlockSpec((NC, _R, D), lambda i: (0, i, 0)),
            pl.BlockSpec((_R, D), lambda i: (i, 0)),
            pl.BlockSpec((_R, 1), lambda i: (i, 0)),
            pl.BlockSpec((D, D), lambda i: (0, 0)),
            pl.BlockSpec((D, D), lambda i: (0, 0)),
            pl.BlockSpec((1, D), lambda i: (0, 0)),
        ],
        out_specs=pl.BlockSpec((_R, D), lambda i: (i, 0)),
        out_shape=jax.ShapeDtypeStruct((N, D), jnp.float32),
    )(acc, h, invdeg, W2, Wr2, b2)


def kernel(x, edge_index, W1, Wr1, b1, W2, Wr2, b2):
    src = edge_index[0].astype(jnp.int32)
    dst = edge_index[1].astype(jnp.int32)
    npad = E_PAD - E
    src_p = jnp.concatenate([src, jnp.zeros((npad,), jnp.int32)]).reshape(-1, CHUNK)
    dst_p = jnp.concatenate([dst, jnp.full((npad,), N, jnp.int32)]).reshape(-1, CHUNK)
    ei_p = jnp.stack([src_p, dst_p], axis=1)

    z_main = jnp.zeros((ROWS_PER_TILE, D), jnp.float32)
    z_deg = jnp.zeros((ROWS_PER_TILE, DW), jnp.float32)
    ones_c = jnp.ones((CHUNK, DW), jnp.float32)

    acc1, deg = _make_sc_agg(True)(x, ei_p, z_main, ones_c, z_deg)
    h, invdeg = _tc_layer1(acc1, deg, x, W1, Wr1, b1.reshape(1, D))

    acc2, = _make_sc_agg(False)(h, ei_p, z_main)
    out = _tc_layer2(acc2, h, invdeg, W2, Wr2, b2.reshape(1, D))
    return out.reshape(-1)

# --- scband reference (transcript-rebuilt; emitter-appended) ---
"""Pipeline reference for scband-spline-encoder-54546084659940 (READ-ONLY COPY).

The authoritative reference and input builder live on the scoring server;
editing this copy changes nothing except your own understanding.
"""

import jax, jax.numpy as jnp
import numpy as np

N_NODES = 10000
N_EDGES = 320000
D_IN = 128
D_HID = 128
D_OUT = 128


def setup_inputs(seed: int = 0) -> dict:
    key = jax.random.key(seed)
    k_x, k_ei, k1, k2, k3, k4 = jax.random.split(key, 6)
    x = jax.random.normal(k_x, (N_NODES, D_IN), dtype=jnp.float32)
    edge_index = jax.random.randint(k_ei, (2, N_EDGES), 0, N_NODES, dtype=jnp.int64)
    s1 = 1.0 / np.sqrt(D_IN)
    s2 = 1.0 / np.sqrt(D_HID)
    W1 = jax.random.normal(k1, (D_IN, D_HID), dtype=jnp.float32) * s1
    Wr1 = jax.random.normal(k2, (D_IN, D_HID), dtype=jnp.float32) * s1
    b1 = jnp.zeros((D_HID,), dtype=jnp.float32)
    W2 = jax.random.normal(k3, (D_HID, D_OUT), dtype=jnp.float32) * s2
    Wr2 = jax.random.normal(k4, (D_HID, D_OUT), dtype=jnp.float32) * s2
    b2 = jnp.zeros((D_OUT,), dtype=jnp.float32)
    return {"x": x, "edge_index": edge_index, "W1": W1, "Wr1": Wr1, "b1": b1,
            "W2": W2, "Wr2": Wr2, "b2": b2}


def _spline_conv(x, edge_index, W, Wr, b):
    # SplineConv with degenerate (edge_attr-free) spline basis reduces to a
    # neighbor linear transform + mean aggregation + root weight + bias.
    src = edge_index[0]
    dst = edge_index[1]
    n = x.shape[0]
    msgs = jnp.take(x, src, axis=0) @ W            # gather + matmul
    agg = jax.ops.segment_sum(msgs, dst, num_segments=n)   # scatter-add
    deg = jax.ops.segment_sum(jnp.ones((edge_index.shape[1],), x.dtype), dst, num_segments=n)
    agg = agg / jnp.maximum(deg, 1.0)[:, None]
    return agg + x @ Wr + b


def reference(x, edge_index, W1, Wr1, b1, W2, Wr2, b2):
    h = jax.nn.relu(_spline_conv(x, edge_index, W1, Wr1, b1))
    out = _spline_conv(h, edge_index, W2, Wr2, b2)
    # original does x.view(1600); generalized to a full flatten for
    # production-scale N (see notes)
    return out.reshape(-1)

if __name__ == "__main__":
    import jax
    _d = setup_inputs()
    print(jax.jit(kernel)(*tuple(_d.values())))

</pallas_src>

<mosaic_0001>
#map = affine_map<(d0, d1) -> (0, 0)>
#map1 = affine_map<(d0, d1) -> (0, 0, 0)>
module attributes {stable_mosaic.version = 14 : i64} {
  func.func @sc_agg(%arg0: i32, %arg1: i32, %arg2: memref<10000x128xf32, #tpu.memory_space<hbm>>, %arg3: memref<2560x2x128xi32, #tpu.memory_space<hbm>>, %arg4: memref<632x128xf32, #tpu.memory_space<hbm>>, %arg5: memref<128x16xf32, #tpu.memory_space<hbm>>, %arg6: memref<632x16xf32, #tpu.memory_space<hbm>>, %arg7: memref<2x10112x128xf32, #tpu.memory_space<hbm>>, %arg8: memref<2x10112x16xf32, #tpu.memory_space<hbm>>, %arg9: memref<2x128xi32, #tpu.memory_space<vmem>>, %arg10: memref<2x128xi32, #tpu.memory_space<vmem>>, %arg11: memref<2x128xi32, #tpu.memory_space<vmem>>, %arg12: memref<2x128xi32, #tpu.memory_space<vmem>>, %arg13: memref<128x128xf32, #tpu.memory_space<vmem>>, %arg14: memref<128x128xf32, #tpu.memory_space<vmem>>, %arg15: memref<10112x128xf32, #tpu.memory_space<vmem_shared>>, %arg16: memref<!tpu.dma_semaphore, #tpu.memory_space<semaphore_mem>>, %arg17: memref<!tpu.dma_semaphore, #tpu.memory_space<semaphore_mem>>, %arg18: memref<!tpu.dma_semaphore, #tpu.memory_space<semaphore_mem>>, %arg19: memref<!tpu.dma_semaphore, #tpu.memory_space<semaphore_mem>>, %arg20: memref<!tpu.dma_semaphore, #tpu.memory_space<semaphore_mem>>, %arg21: memref<!tpu.dma_semaphore, #tpu.memory_space<semaphore_mem>>, %arg22: memref<!tpu.dma_semaphore, #tpu.memory_space<semaphore_mem>>, %arg23: memref<!tpu.dma_semaphore, #tpu.memory_space<semaphore_mem>>, %arg24: memref<128x16xf32, #tpu.memory_space<vmem>>, %arg25: memref<10112x16xf32, #tpu.memory_space<vmem_shared>>) attributes {dimension_semantics = [#tpu.dimension_semantics<core_parallel>, #tpu.dimension_semantics<subcore_parallel>], iteration_bounds = array<i64: 2, 16>, scalar_prefetch = 0 : i64, scratch_operands = 17 : i64, tpu.core_type = #tpu.core_type<sc_vector_subcore>, window_params = [{transform_indices = #map}, {transform_indices = #map1}, {transform_indices = #map}, {transform_indices = #map}, {transform_indices = #map}, {transform_indices = #map1}, {transform_indices = #map1}]} {
    %mul3A = arith.constant 2 : i32
    %mul3A_0 = arith.muli %arg1, %mul3A : i32
    %add3A = arith.addi %mul3A_0, %arg0 : i32
    %mul3A_1 = arith.constant 632 : i32
    %mul3A_2 = arith.muli %arg1, %mul3A_1 : i32
    %mul3A_3 = arith.constant 80 : i32
    %mul3A_4 = arith.muli %add3A, %mul3A_3 : i32
    "tpu.region"() ({
      %run_scoped3A = tpu.sem_alloc : memref<!tpu.dma_semaphore, #tpu.memory_space<semaphore_mem>>
      %dma_start3A_70 = arith.constant 0 : i32
      %dma_start3A_71 = tpu.memref_slice %arg15[%mul3A_2, %dma_start3A_70] : memref<10112x128xf32, #tpu.memory_space<vmem_shared>> -> memref<632x128xf32, #tpu.memory_space<vmem_shared>>
      tpu.enqueue_dma source(%arg4 : memref<632x128xf32, #tpu.memory_space<hbm>>) target(%dma_start3A_71 : memref<632x128xf32, #tpu.memory_space<vmem_shared>>) target_semaphore(%run_scoped3A : memref<!tpu.dma_semaphore, #tpu.memory_space<semaphore_mem>>)
      %dma_wait3A_72 = arith.constant 0 : i32
      %dma_wait3A_73 = tpu.memref_slice %arg15[%mul3A_2, %dma_wait3A_72] : memref<10112x128xf32, #tpu.memory_space<vmem_shared>> -> memref<632x128xf32, #tpu.memory_space<vmem_shared>>
      tpu.wait_dma2 semaphore(%run_scoped3A : memref<!tpu.dma_semaphore, #tpu.memory_space<semaphore_mem>>) src(%arg4 : memref<632x128xf32, #tpu.memory_space<hbm>>) dst(%dma_wait3A_73 : memref<632x128xf32, #tpu.memory_space<vmem_shared>>)
      tpu.yield
    }) : () -> ()
    "tpu.region"() ({
      %run_scoped3A = tpu.sem_alloc : memref<!tpu.dma_semaphore, #tpu.memory_space<semaphore_mem>>
      tpu.enqueue_dma source(%arg5 : memref<128x16xf32, #tpu.memory_space<hbm>>) target(%arg24 : memref<128x16xf32, #tpu.memory_space<vmem>>) target_semaphore(%run_scoped3A : memref<!tpu.dma_semaphore, #tpu.memory_space<semaphore_mem>>)
      tpu.wait_dma2 semaphore(%run_scoped3A : memref<!tpu.dma_semaphore, #tpu.memory_space<semaphore_mem>>) src(%arg5 : memref<128x16xf32, #tpu.memory_space<hbm>>) dst(%arg24 : memref<128x16xf32, #tpu.memory_space<vmem>>)
      tpu.yield
    }) : () -> ()
    "tpu.region"() ({
      %run_scoped3A = tpu.sem_alloc : memref<!tpu.dma_semaphore, #tpu.memory_space<semaphore_mem>>
      %dma_start3A_70 = arith.constant 0 : i32
      %dma_start3A_71 = tpu.memref_slice %arg25[%mul3A_2, %dma_start3A_70] : memref<10112x16xf32, #tpu.memory_space<vmem_shared>> -> memref<632x16xf32, #tpu.memory_space<vmem_shared>>
      tpu.enqueue_dma source(%arg6 : memref<632x16xf32, #tpu.memory_space<hbm>>) target(%dma_start3A_71 : memref<632x16xf32, #tpu.memory_space<vmem_shared>>) target_semaphore(%run_scoped3A : memref<!tpu.dma_semaphore, #tpu.memory_space<semaphore_mem>>)
      %dma_wait3A_72 = arith.constant 0 : i32
      %dma_wait3A_73 = tpu.memref_slice %arg25[%mul3A_2, %dma_wait3A_72] : memref<10112x16xf32, #tpu.memory_space<vmem_shared>> -> memref<632x16xf32, #tpu.memory_space<vmem_shared>>
      tpu.wait_dma2 semaphore(%run_scoped3A : memref<!tpu.dma_semaphore, #tpu.memory_space<semaphore_mem>>) src(%arg6 : memref<632x16xf32, #tpu.memory_space<hbm>>) dst(%dma_wait3A_73 : memref<632x16xf32, #tpu.memory_space<vmem_shared>>)
      tpu.yield
    }) : () -> ()
    %barrier3A = arith.constant 0 : index
    tpu.barrier barrier_id(%barrier3A)
    %add3A_5 = arith.constant 0 : i32
    %add3A_6 = arith.addi %mul3A_4, %add3A_5 : i32
    %dma_start3A = arith.constant 0 : i32
    %dma_start3A_7 = arith.constant 0 : i32
    %dma_start3A_8 = tpu.memref_slice %arg3[%add3A_6, %dma_start3A, %dma_start3A_7] : memref<2560x2x128xi32, #tpu.memory_space<hbm>> -> memref<1x2x128xi32, #tpu.memory_space<hbm>>
    %dma_start3A_9 = tpu.memref_squeeze %dma_start3A_8 : memref<1x2x128xi32, #tpu.memory_space<hbm>> -> memref<2x128xi32, #tpu.memory_space<hbm>>
    %dma_start3A_10 = arith.constant 0 : i32
    %dma_start3A_11 = arith.constant 0 : i32
    %dma_start3A_12 = tpu.memref_slice %arg3[%add3A_6, %dma_start3A_10, %dma_start3A_11] : memref<2560x2x128xi32, #tpu.memory_space<hbm>> -> memref<1x2x128xi32, #tpu.memory_space<hbm>>
    %dma_start3A_13 = tpu.memref_squeeze %dma_start3A_12 : memref<1x2x128xi32, #tpu.memory_space<hbm>> -> memref<2x128xi32, #tpu.memory_space<hbm>>
    tpu.enqueue_dma source(%dma_start3A_13 : memref<2x128xi32, #tpu.memory_space<hbm>>) target(%arg9 : memref<2x128xi32, #tpu.memory_space<vmem>>) target_semaphore(%arg16 : memref<!tpu.dma_semaphore, #tpu.memory_space<semaphore_mem>>)
    %add3A_14 = arith.constant 1 : i32
    %add3A_15 = arith.addi %mul3A_4, %add3A_14 : i32
    %dma_start3A_16 = arith.constant 0 : i32
    %dma_start3A_17 = arith.constant 0 : i32
    %dma_start3A_18 = tpu.memref_slice %arg3[%add3A_15, %dma_start3A_16, %dma_start3A_17] : memref<2560x2x128xi32, #tpu.memory_space<hbm>> -> memref<1x2x128xi32, #tpu.memory_space<hbm>>
    %dma_start3A_19 = tpu.memref_squeeze %dma_start3A_18 : memref<1x2x128xi32, #tpu.memory_space<hbm>> -> memref<2x128xi32, #tpu.memory_space<hbm>>
    %dma_start3A_20 = arith.constant 0 : i32
    %dma_start3A_21 = arith.constant 0 : i32
    %dma_start3A_22 = tpu.memref_slice %arg3[%add3A_15, %dma_start3A_20, %dma_start3A_21] : memref<2560x2x128xi32, #tpu.memory_space<hbm>> -> memref<1x2x128xi32, #tpu.memory_space<hbm>>
    %dma_start3A_23 = tpu.memref_squeeze %dma_start3A_22 : memref<1x2x128xi32, #tpu.memory_space<hbm>> -> memref<2x128xi32, #tpu.memory_space<hbm>>
    tpu.enqueue_dma source(%dma_start3A_23 : memref<2x128xi32, #tpu.memory_space<hbm>>) target(%arg10 : memref<2x128xi32, #tpu.memory_space<vmem>>) target_semaphore(%arg17 : memref<!tpu.dma_semaphore, #tpu.memory_space<semaphore_mem>>)
    %add3A_24 = arith.constant 2 : i32
    %add3A_25 = arith.addi %mul3A_4, %add3A_24 : i32
    %dma_start3A_26 = arith.constant 0 : i32
    %dma_start3A_27 = arith.constant 0 : i32
    %dma_start3A_28 = tpu.memref_slice %arg3[%add3A_25, %dma_start3A_26, %dma_start3A_27] : memref<2560x2x128xi32, #tpu.memory_space<hbm>> -> memref<1x2x128xi32, #tpu.memory_space<hbm>>
    %dma_start3A_29 = tpu.memref_squeeze %dma_start3A_28 : memref<1x2x128xi32, #tpu.memory_space<hbm>> -> memref<2x128xi32, #tpu.memory_space<hbm>>
    %dma_start3A_30 = arith.constant 0 : i32
    %dma_start3A_31 = arith.constant 0 : i32
    %dma_start3A_32 = tpu.memref_slice %arg3[%add3A_25, %dma_start3A_30, %dma_start3A_31] : memref<2560x2x128xi32, #tpu.memory_space<hbm>> -> memref<1x2x128xi32, #tpu.memory_space<hbm>>
    %dma_start3A_33 = tpu.memref_squeeze %dma_start3A_32 : memref<1x2x128xi32, #tpu.memory_space<hbm>> -> memref<2x128xi32, #tpu.memory_space<hbm>>
    tpu.enqueue_dma source(%dma_start3A_33 : memref<2x128xi32, #tpu.memory_space<hbm>>) target(%arg11 : memref<2x128xi32, #tpu.memory_space<vmem>>) target_semaphore(%arg18 : memref<!tpu.dma_semaphore, #tpu.memory_space<semaphore_mem>>)
    %add3A_34 = arith.constant 0 : i32
    %add3A_35 = arith.addi %mul3A_4, %add3A_34 : i32
    %dma_wait3A = arith.constant 0 : i32
    %dma_wait3A_36 = arith.constant 0 : i32
    %dma_wait3A_37 = tpu.memref_slice %arg3[%add3A_35, %dma_wait3A, %dma_wait3A_36] : memref<2560x2x128xi32, #tpu.memory_space<hbm>> -> memref<1x2x128xi32, #tpu.memory_space<hbm>>
    %dma_wait3A_38 = tpu.memref_squeeze %dma_wait3A_37 : memref<1x2x128xi32, #tpu.memory_space<hbm>> -> memref<2x128xi32, #tpu.memory_space<hbm>>
    %dma_wait3A_39 = arith.constant 0 : i32
    %dma_wait3A_40 = arith.constant 0 : i32
    %dma_wait3A_41 = tpu.memref_slice %arg3[%add3A_35, %dma_wait3A_39, %dma_wait3A_40] : memref<2560x2x128xi32, #tpu.memory_space<hbm>> -> memref<1x2x128xi32, #tpu.memory_space<hbm>>
    %dma_wait3A_42 = tpu.memref_squeeze %dma_wait3A_41 : memref<1x2x128xi32, #tpu.memory_space<hbm>> -> memref<2x128xi32, #tpu.memory_space<hbm>>
    tpu.wait_dma2 semaphore(%arg16 : memref<!tpu.dma_semaphore, #tpu.memory_space<semaphore_mem>>) src(%dma_wait3A_42 : memref<2x128xi32, #tpu.memory_space<hbm>>) dst(%arg9 : memref<2x128xi32, #tpu.memory_space<vmem>>)
    %dma_start3A_43 = arith.constant 0 : i32
    %dma_start3A_44 = arith.constant 0 : i32
    %dma_start3A_45 = tpu.memref_slice %arg9[%dma_start3A_43, %dma_start3A_44] : memref<2x128xi32, #tpu.memory_space<vmem>> -> memref<1x128xi32, #tpu.memory_space<vmem>>
    %dma_start3A_46 = tpu.memref_squeeze %dma_start3A_45 : memref<1x128xi32, #tpu.memory_space<vmem>> -> memref<128xi32, #tpu.memory_space<vmem>>
    %dma_start3A_47 = arith.constant 0 : i32
    %dma_start3A_48 = arith.constant 0 : i32
    %dma_start3A_49 = tpu.memref_slice %arg2[%dma_start3A_47, %dma_start3A_48] : memref<10000x128xf32, #tpu.memory_space<hbm>> -> memref<10000x128xf32, #tpu.memory_space<hbm>>
    tpu.enqueue_indirect_dma source(%dma_start3A_49 : memref<10000x128xf32, #tpu.memory_space<hbm>>) target(%arg13 : memref<128x128xf32, #tpu.memory_space<vmem>>) offsets(%dma_start3A_46 : memref<128xi32, #tpu.memory_space<vmem>>) semaphore(%arg20 : memref<!tpu.dma_semaphore, #tpu.memory_space<semaphore_mem>>)
    %scan3A = arith.constant 0 : i32
    %scan3A_50 = arith.constant 0 : i32
    %scan3A_51 = arith.constant 20 : i32
    %scan3A_52 = arith.addi %scan3A_50, %scan3A_51 : i32
    %scan3A_53 = arith.constant 1 : i32
    scf.for %scan3A_70 = %scan3A_50 to %scan3A_52 step %scan3A_53  : i32 {
      %mul3A_71 = arith.constant 4 : i32
      %mul3A_72 = arith.muli %mul3A_71, %scan3A_70 : i32
      %add3A_73 = arith.constant 0 : i32
      %add3A_74 = arith.addi %mul3A_72, %add3A_73 : i32
      %sub3A = arith.constant 1 : i32
      %sub3A_75 = arith.subi %add3A_74, %sub3A : i32
      %ge3A = arith.constant 0 : i32
      %ge3A_76 = arith.cmpi sge, %sub3A_75, %ge3A : i32
      %convert_element_type3A = arith.extui %ge3A_76 : i1 to i32
      %cond3A = arith.constant 0 : i32
      %cond3A_77 = arith.cmpi ne, %convert_element_type3A, %cond3A : i32
      scf.if %cond3A_77 {
        %sub3A_250 = arith.constant 1 : i32
        %sub3A_251 = arith.subi %add3A_74, %sub3A_250 : i32
        %dma_wait3A_252 = arith.constant 1 : i32
        %dma_wait3A_253 = arith.constant 0 : i32
        %dma_wait3A_254 = tpu.memref_slice %arg12[%dma_wait3A_252, %dma_wait3A_253] : memref<2x128xi32, #tpu.memory_space<vmem>> -> memref<1x128xi32, #tpu.memory_space<vmem>>
        %dma_wait3A_255 = tpu.memref_squeeze %dma_wait3A_254 : memref<1x128xi32, #tpu.memory_space<vmem>> -> memref<128xi32, #tpu.memory_space<vmem>>
        %dma_wait3A_256 = arith.constant 0 : i32
        %dma_wait3A_257 = arith.constant 0 : i32
        %dma_wait3A_258 = tpu.memref_slice %arg15[%dma_wait3A_256, %dma_wait3A_257] : memref<10112x128xf32, #tpu.memory_space<vmem_shared>> -> memref<10112x128xf32, #tpu.memory_space<vmem_shared>>
        tpu.wait_indirect_dma semaphore(%arg23 : memref<!tpu.dma_semaphore, #tpu.memory_space<semaphore_mem>>) src(%arg14 : memref<128x128xf32, #tpu.memory_space<vmem>>) dst(%dma_wait3A_258 : memref<10112x128xf32, #tpu.memory_space<vmem_shared>>)
        %dma_wait3A_259 = arith.constant 1 : i32
        %dma_wait3A_260 = arith.constant 0 : i32
        %dma_wait3A_261 = tpu.memref_slice %arg12[%dma_wait3A_259, %dma_wait3A_260] : memref<2x128xi32, #tpu.memory_space<vmem>> -> memref<1x128xi32, #tpu.memory_space<vmem>>
        %dma_wait3A_262 = tpu.memref_squeeze %dma_wait3A_261 : memref<1x128xi32, #tpu.memory_space<vmem>> -> memref<128xi32, #tpu.memory_space<vmem>>
        %dma_wait3A_263 = arith.constant 0 : i32
        %dma_wait3A_264 = arith.constant 0 : i32
        %dma_wait3A_265 = tpu.memref_slice %arg25[%dma_wait3A_263, %dma_wait3A_264] : memref<10112x16xf32, #tpu.memory_space<vmem_shared>> -> memref<10112x16xf32, #tpu.memory_space<vmem_shared>>
        tpu.wait_indirect_dma semaphore(%arg23 : memref<!tpu.dma_semaphore, #tpu.memory_space<semaphore_mem>>) src(%arg24 : memref<128x16xf32, #tpu.memory_space<vmem>>) dst(%dma_wait3A_265 : memref<10112x16xf32, #tpu.memory_space<vmem_shared>>)
      } else {
      }
      %add3A_78 = arith.constant 3 : i32
      %add3A_79 = arith.addi %add3A_74, %add3A_78 : i32
      %lt3A = arith.constant 80 : i32
      %lt3A_80 = arith.cmpi slt, %add3A_79, %lt3A : i32
      %convert_element_type3A_81 = arith.extui %lt3A_80 : i1 to i32
      %cond3A_82 = arith.constant 0 : i32
      %cond3A_83 = arith.cmpi ne, %convert_element_type3A_81, %cond3A_82 : i32
      scf.if %cond3A_83 {
        %add3A_250 = arith.constant 3 : i32
        %add3A_251 = arith.addi %add3A_74, %add3A_250 : i32
        %add3A_252 = arith.addi %mul3A_4, %add3A_251 : i32
        %dma_start3A_253 = arith.constant 0 : i32
        %dma_start3A_254 = arith.constant 0 : i32
        %dma_start3A_255 = tpu.memref_slice %arg3[%add3A_252, %dma_start3A_253, %dma_start3A_254] : memref<2560x2x128xi32, #tpu.memory_space<hbm>> -> memref<1x2x128xi32, #tpu.memory_space<hbm>>
        %dma_start3A_256 = tpu.memref_squeeze %dma_start3A_255 : memref<1x2x128xi32, #tpu.memory_space<hbm>> -> memref<2x128xi32, #tpu.memory_space<hbm>>
        %dma_start3A_257 = arith.constant 0 : i32
        %dma_start3A_258 = arith.constant 0 : i32
        %dma_start3A_259 = tpu.memref_slice %arg3[%add3A_252, %dma_start3A_257, %dma_start3A_258] : memref<2560x2x128xi32, #tpu.memory_space<hbm>> -> memref<1x2x128xi32, #tpu.memory_space<hbm>>
        %dma_start3A_260 = tpu.memref_squeeze %dma_start3A_259 : memref<1x2x128xi32, #tpu.memory_space<hbm>> -> memref<2x128xi32, #tpu.memory_space<hbm>>
        tpu.enqueue_dma source(%dma_start3A_260 : memref<2x128xi32, #tpu.memory_space<hbm>>) target(%arg12 : memref<2x128xi32, #tpu.memory_space<vmem>>) target_semaphore(%arg19 : memref<!tpu.dma_semaphore, #tpu.memory_space<semaphore_mem>>)
      } else {
      }
      %add3A_84 = arith.constant 1 : i32
      %add3A_85 = arith.addi %add3A_74, %add3A_84 : i32
      %lt3A_86 = arith.constant 80 : i32
      %lt3A_87 = arith.cmpi slt, %add3A_85, %lt3A_86 : i32
      %convert_element_type3A_88 = arith.extui %lt3A_87 : i1 to i32
      %cond3A_89 = arith.constant 0 : i32
      %cond3A_90 = arith.cmpi ne, %convert_element_type3A_88, %cond3A_89 : i32
      scf.if %cond3A_90 {
        %add3A_250 = arith.constant 1 : i32
        %add3A_251 = arith.addi %add3A_74, %add3A_250 : i32
        %add3A_252 = arith.addi %mul3A_4, %add3A_251 : i32
        %dma_wait3A_253 = arith.constant 0 : i32
        %dma_wait3A_254 = arith.constant 0 : i32
        %dma_wait3A_255 = tpu.memref_slice %arg3[%add3A_252, %dma_wait3A_253, %dma_wait3A_254] : memref<2560x2x128xi32, #tpu.memory_space<hbm>> -> memref<1x2x128xi32, #tpu.memory_space<hbm>>
        %dma_wait3A_256 = tpu.memref_squeeze %dma_wait3A_255 : memref<1x2x128xi32, #tpu.memory_space<hbm>> -> memref<2x128xi32, #tpu.memory_space<hbm>>
        %dma_wait3A_257 = arith.constant 0 : i32
        %dma_wait3A_258 = arith.constant 0 : i32
        %dma_wait3A_259 = tpu.memref_slice %arg3[%add3A_252, %dma_wait3A_257, %dma_wait3A_258] : memref<2560x2x128xi32, #tpu.memory_space<hbm>> -> memref<1x2x128xi32, #tpu.memory_space<hbm>>
        %dma_wait3A_260 = tpu.memref_squeeze %dma_wait3A_259 : memref<1x2x128xi32, #tpu.memory_space<hbm>> -> memref<2x128xi32, #tpu.memory_space<hbm>>
        tpu.wait_dma2 semaphore(%arg17 : memref<!tpu.dma_semaphore, #tpu.memory_space<semaphore_mem>>) src(%dma_wait3A_260 : memref<2x128xi32, #tpu.memory_space<hbm>>) dst(%arg10 : memref<2x128xi32, #tpu.memory_space<vmem>>)
        %dma_start3A_261 = arith.constant 0 : i32
        %dma_start3A_262 = arith.constant 0 : i32
        %dma_start3A_263 = tpu.memref_slice %arg10[%dma_start3A_261, %dma_start3A_262] : memref<2x128xi32, #tpu.memory_space<vmem>> -> memref<1x128xi32, #tpu.memory_space<vmem>>
        %dma_start3A_264 = tpu.memref_squeeze %dma_start3A_263 : memref<1x128xi32, #tpu.memory_space<vmem>> -> memref<128xi32, #tpu.memory_space<vmem>>
        %dma_start3A_265 = arith.constant 0 : i32
        %dma_start3A_266 = arith.constant 0 : i32
        %dma_start3A_267 = tpu.memref_slice %arg2[%dma_start3A_265, %dma_start3A_266] : memref<10000x128xf32, #tpu.memory_space<hbm>> -> memref<10000x128xf32, #tpu.memory_space<hbm>>
        tpu.enqueue_indirect_dma source(%dma_start3A_267 : memref<10000x128xf32, #tpu.memory_space<hbm>>) target(%arg14 : memref<128x128xf32, #tpu.memory_space<vmem>>) offsets(%dma_start3A_264 : memref<128xi32, #tpu.memory_space<vmem>>) semaphore(%arg21 : memref<!tpu.dma_semaphore, #tpu.memory_space<semaphore_mem>>)
      } else {
      }
      %dma_wait3A_91 = arith.constant 0 : i32
      %dma_wait3A_92 = arith.constant 0 : i32
      %dma_wait3A_93 = tpu.memref_slice %arg9[%dma_wait3A_91, %dma_wait3A_92] : memref<2x128xi32, #tpu.memory_space<vmem>> -> memref<1x128xi32, #tpu.memory_space<vmem>>
      %dma_wait3A_94 = tpu.memref_squeeze %dma_wait3A_93 : memref<1x128xi32, #tpu.memory_space<vmem>> -> memref<128xi32, #tpu.memory_space<vmem>>
      %dma_wait3A_95 = arith.constant 0 : i32
      %dma_wait3A_96 = arith.constant 0 : i32
      %dma_wait3A_97 = tpu.memref_slice %arg2[%dma_wait3A_95, %dma_wait3A_96] : memref<10000x128xf32, #tpu.memory_space<hbm>> -> memref<10000x128xf32, #tpu.memory_space<hbm>>
      tpu.wait_indirect_dma semaphore(%arg20 : memref<!tpu.dma_semaphore, #tpu.memory_space<semaphore_mem>>) src(%dma_wait3A_97 : memref<10000x128xf32, #tpu.memory_space<hbm>>) dst(%arg13 : memref<128x128xf32, #tpu.memory_space<vmem>>)
      %dma_start3A_98 = arith.constant 1 : i32
      %dma_start3A_99 = arith.constant 0 : i32
      %dma_start3A_100 = tpu.memref_slice %arg9[%dma_start3A_98, %dma_start3A_99] : memref<2x128xi32, #tpu.memory_space<vmem>> -> memref<1x128xi32, #tpu.memory_space<vmem>>
      %dma_start3A_101 = tpu.memref_squeeze %dma_start3A_100 : memref<1x128xi32, #tpu.memory_space<vmem>> -> memref<128xi32, #tpu.memory_space<vmem>>
      %dma_start3A_102 = arith.constant 0 : i32
      %dma_start3A_103 = arith.constant 0 : i32
      %dma_start3A_104 = tpu.memref_slice %arg15[%dma_start3A_102, %dma_start3A_103] : memref<10112x128xf32, #tpu.memory_space<vmem_shared>> -> memref<10112x128xf32, #tpu.memory_space<vmem_shared>>
      tpu.enqueue_indirect_dma source(%arg13 : memref<128x128xf32, #tpu.memory_space<vmem>>) target(%dma_start3A_104 : memref<10112x128xf32, #tpu.memory_space<vmem_shared>>) offsets(%dma_start3A_101 : memref<128xi32, #tpu.memory_space<vmem>>) semaphore(%arg22 : memref<!tpu.dma_semaphore, #tpu.memory_space<semaphore_mem>>) {add = true}
      %dma_start3A_105 = arith.constant 1 : i32
      %dma_start3A_106 = arith.constant 0 : i32
      %dma_start3A_107 = tpu.memref_slice %arg9[%dma_start3A_105, %dma_start3A_106] : memref<2x128xi32, #tpu.memory_space<vmem>> -> memref<1x128xi32, #tpu.memory_space<vmem>>
      %dma_start3A_108 = tpu.memref_squeeze %dma_start3A_107 : memref<1x128xi32, #tpu.memory_space<vmem>> -> memref<128xi32, #tpu.memory_space<vmem>>
      %dma_start3A_109 = arith.constant 0 : i32
      %dma_start3A_110 = arith.constant 0 : i32
      %dma_start3A_111 = tpu.memref_slice %arg25[%dma_start3A_109, %dma_start3A_110] : memref<10112x16xf32, #tpu.memory_space<vmem_shared>> -> memref<10112x16xf32, #tpu.memory_space<vmem_shared>>
      tpu.enqueue_indirect_dma source(%arg24 : memref<128x16xf32, #tpu.memory_space<vmem>>) target(%dma_start3A_111 : memref<10112x16xf32, #tpu.memory_space<vmem_shared>>) offsets(%dma_start3A_108 : memref<128xi32, #tpu.memory_space<vmem>>) semaphore(%arg22 : memref<!tpu.dma_semaphore, #tpu.memory_space<semaphore_mem>>) {add = true}
      %mul3A_112 = arith.constant 4 : i32
      %mul3A_113 = arith.muli %mul3A_112, %scan3A_70 : i32
      %add3A_114 = arith.constant 1 : i32
      %add3A_115 = arith.addi %mul3A_113, %add3A_114 : i32
      %sub3A_116 = arith.constant 1 : i32
      %sub3A_117 = arith.subi %add3A_115, %sub3A_116 : i32
      %ge3A_118 = arith.constant 0 : i32
      %ge3A_119 = arith.cmpi sge, %sub3A_117, %ge3A_118 : i32
      %convert_element_type3A_120 = arith.extui %ge3A_119 : i1 to i32
      %cond3A_121 = arith.constant 0 : i32
      %cond3A_122 = arith.cmpi ne, %convert_element_type3A_120, %cond3A_121 : i32
      scf.if %cond3A_122 {
        %sub3A_250 = arith.constant 1 : i32
        %sub3A_251 = arith.subi %add3A_115, %sub3A_250 : i32
        %dma_wait3A_252 = arith.constant 1 : i32
        %dma_wait3A_253 = arith.constant 0 : i32
        %dma_wait3A_254 = tpu.memref_slice %arg9[%dma_wait3A_252, %dma_wait3A_253] : memref<2x128xi32, #tpu.memory_space<vmem>> -> memref<1x128xi32, #tpu.memory_space<vmem>>
        %dma_wait3A_255 = tpu.memref_squeeze %dma_wait3A_254 : memref<1x128xi32, #tpu.memory_space<vmem>> -> memref<128xi32, #tpu.memory_space<vmem>>
        %dma_wait3A_256 = arith.constant 0 : i32
        %dma_wait3A_257 = arith.constant 0 : i32
        %dma_wait3A_258 = tpu.memref_slice %arg15[%dma_wait3A_256, %dma_wait3A_257] : memref<10112x128xf32, #tpu.memory_space<vmem_shared>> -> memref<10112x128xf32, #tpu.memory_space<vmem_shared>>
        tpu.wait_indirect_dma semaphore(%arg22 : memref<!tpu.dma_semaphore, #tpu.memory_space<semaphore_mem>>) src(%arg13 : memref<128x128xf32, #tpu.memory_space<vmem>>) dst(%dma_wait3A_258 : memref<10112x128xf32, #tpu.memory_space<vmem_shared>>)
        %dma_wait3A_259 = arith.constant 1 : i32
        %dma_wait3A_260 = arith.constant 0 : i32
        %dma_wait3A_261 = tpu.memref_slice %arg9[%dma_wait3A_259, %dma_wait3A_260] : memref<2x128xi32, #tpu.memory_space<vmem>> -> memref<1x128xi32, #tpu.memory_space<vmem>>
        %dma_wait3A_262 = tpu.memref_squeeze %dma_wait3A_261 : memref<1x128xi32, #tpu.memory_space<vmem>> -> memref<128xi32, #tpu.memory_space<vmem>>
        %dma_wait3A_263 = arith.constant 0 : i32
        %dma_wait3A_264 = arith.constant 0 : i32
        %dma_wait3A_265 = tpu.memref_slice %arg25[%dma_wait3A_263, %dma_wait3A_264] : memref<10112x16xf32, #tpu.memory_space<vmem_shared>> -> memref<10112x16xf32, #tpu.memory_space<vmem_shared>>
        tpu.wait_indirect_dma semaphore(%arg22 : memref<!tpu.dma_semaphore, #tpu.memory_space<semaphore_mem>>) src(%arg24 : memref<128x16xf32, #tpu.memory_space<vmem>>) dst(%dma_wait3A_265 : memref<10112x16xf32, #tpu.memory_space<vmem_shared>>)
      } else {
      }
      %add3A_123 = arith.constant 3 : i32
      %add3A_124 = arith.addi %add3A_115, %add3A_123 : i32
      %lt3A_125 = arith.constant 80 : i32
      %lt3A_126 = arith.cmpi slt, %add3A_124, %lt3A_125 : i32
      %convert_element_type3A_127 = arith.extui %lt3A_126 : i1 to i32
      %cond3A_128 = arith.constant 0 : i32
      %cond3A_129 = arith.cmpi ne, %convert_element_type3A_127, %cond3A_128 : i32
      scf.if %cond3A_129 {
        %add3A_250 = arith.constant 3 : i32
        %add3A_251 = arith.addi %add3A_115, %add3A_250 : i32
        %add3A_252 = arith.addi %mul3A_4, %add3A_251 : i32
        %dma_start3A_253 = arith.constant 0 : i32
        %dma_start3A_254 = arith.constant 0 : i32
        %dma_start3A_255 = tpu.memref_slice %arg3[%add3A_252, %dma_start3A_253, %dma_start3A_254] : memref<2560x2x128xi32, #tpu.memory_space<hbm>> -> memref<1x2x128xi32, #tpu.memory_space<hbm>>
        %dma_start3A_256 = tpu.memref_squeeze %dma_start3A_255 : memref<1x2x128xi32, #tpu.memory_space<hbm>> -> memref<2x128xi32, #tpu.memory_space<hbm>>
        %dma_start3A_257 = arith.constant 0 : i32
        %dma_start3A_258 = arith.constant 0 : i32
        %dma_start3A_259 = tpu.memref_slice %arg3[%add3A_252, %dma_start3A_257, %dma_start3A_258] : memref<2560x2x128xi32, #tpu.memory_space<hbm>> -> memref<1x2x128xi32, #tpu.memory_space<hbm>>
        %dma_start3A_260 = tpu.memref_squeeze %dma_start3A_259 : memref<1x2x128xi32, #tpu.memory_space<hbm>> -> memref<2x128xi32, #tpu.memory_space<hbm>>
        tpu.enqueue_dma source(%dma_start3A_260 : memref<2x128xi32, #tpu.memory_space<hbm>>) target(%arg9 : memref<2x128xi32, #tpu.memory_space<vmem>>) target_semaphore(%arg16 : memref<!tpu.dma_semaphore, #tpu.memory_space<semaphore_mem>>)
      } else {
      }
      %add3A_130 = arith.constant 1 : i32
      %add3A_131 = arith.addi %add3A_115, %add3A_130 : i32
      %lt3A_132 = arith.constant 80 : i32
      %lt3A_133 = arith.cmpi slt, %add3A_131, %lt3A_132 : i32
      %convert_element_type3A_134 = arith.extui %lt3A_133 : i1 to i32
      %cond3A_135 = arith.constant 0 : i32
      %cond3A_136 = arith.cmpi ne, %convert_element_type3A_134, %cond3A_135 : i32
      scf.if %cond3A_136 {
        %add3A_250 = arith.constant 1 : i32
        %add3A_251 = arith.addi %add3A_115, %add3A_250 : i32
        %add3A_252 = arith.addi %mul3A_4, %add3A_251 : i32
        %dma_wait3A_253 = arith.constant 0 : i32
        %dma_wait3A_254 = arith.constant 0 : i32
        %dma_wait3A_255 = tpu.memref_slice %arg3[%add3A_252, %dma_wait3A_253, %dma_wait3A_254] : memref<2560x2x128xi32, #tpu.memory_space<hbm>> -> memref<1x2x128xi32, #tpu.memory_space<hbm>>
        %dma_wait3A_256 = tpu.memref_squeeze %dma_wait3A_255 : memref<1x2x128xi32, #tpu.memory_space<hbm>> -> memref<2x128xi32, #tpu.memory_space<hbm>>
        %dma_wait3A_257 = arith.constant 0 : i32
        %dma_wait3A_258 = arith.constant 0 : i32
        %dma_wait3A_259 = tpu.memref_slice %arg3[%add3A_252, %dma_wait3A_257, %dma_wait3A_258] : memref<2560x2x128xi32, #tpu.memory_space<hbm>> -> memref<1x2x128xi32, #tpu.memory_space<hbm>>
        %dma_wait3A_260 = tpu.memref_squeeze %dma_wait3A_259 : memref<1x2x128xi32, #tpu.memory_space<hbm>> -> memref<2x128xi32, #tpu.memory_space<hbm>>
        tpu.wait_dma2 semaphore(%arg18 : memref<!tpu.dma_semaphore, #tpu.memory_space<semaphore_mem>>) src(%dma_wait3A_260 : memref<2x128xi32, #tpu.memory_space<hbm>>) dst(%arg11 : memref<2x128xi32, #tpu.memory_space<vmem>>)
        %dma_start3A_261 = arith.constant 0 : i32
        %dma_start3A_262 = arith.constant 0 : i32
        %dma_start3A_263 = tpu.memref_slice %arg11[%dma_start3A_261, %dma_start3A_262] : memref<2x128xi32, #tpu.memory_space<vmem>> -> memref<1x128xi32, #tpu.memory_space<vmem>>
        %dma_start3A_264 = tpu.memref_squeeze %dma_start3A_263 : memref<1x128xi32, #tpu.memory_space<vmem>> -> memref<128xi32, #tpu.memory_space<vmem>>
        %dma_start3A_265 = arith.constant 0 : i32
        %dma_start3A_266 = arith.constant 0 : i32
        %dma_start3A_267 = tpu.memref_slice %arg2[%dma_start3A_265, %dma_start3A_266] : memref<10000x128xf32, #tpu.memory_space<hbm>> -> memref<10000x128xf32, #tpu.memory_space<hbm>>
        tpu.enqueue_indirect_dma source(%dma_start3A_267 : memref<10000x128xf32, #tpu.memory_space<hbm>>) target(%arg13 : memref<128x128xf32, #tpu.memory_space<vmem>>) offsets(%dma_start3A_264 : memref<128xi32, #tpu.memory_space<vmem>>) semaphore(%arg20 : memref<!tpu.dma_semaphore, #tpu.memory_space<semaphore_mem>>)
      } else {
      }
      %dma_wait3A_137 = arith.constant 0 : i32
      %dma_wait3A_138 = arith.constant 0 : i32
      %dma_wait3A_139 = tpu.memref_slice %arg10[%dma_wait3A_137, %dma_wait3A_138] : memref<2x128xi32, #tpu.memory_space<vmem>> -> memref<1x128xi32, #tpu.memory_space<vmem>>
      %dma_wait3A_140 = tpu.memref_squeeze %dma_wait3A_139 : memref<1x128xi32, #tpu.memory_space<vmem>> -> memref<128xi32, #tpu.memory_space<vmem>>
      %dma_wait3A_141 = arith.constant 0 : i32
      %dma_wait3A_142 = arith.constant 0 : i32
      %dma_wait3A_143 = tpu.memref_slice %arg2[%dma_wait3A_141, %dma_wait3A_142] : memref<10000x128xf32, #tpu.memory_space<hbm>> -> memref<10000x128xf32, #tpu.memory_space<hbm>>
      tpu.wait_indirect_dma semaphore(%arg21 : memref<!tpu.dma_semaphore, #tpu.memory_space<semaphore_mem>>) src(%dma_wait3A_143 : memref<10000x128xf32, #tpu.memory_space<hbm>>) dst(%arg14 : memref<128x128xf32, #tpu.memory_space<vmem>>)
      %dma_start3A_144 = arith.constant 1 : i32
      %dma_start3A_145 = arith.constant 0 : i32
      %dma_start3A_146 = tpu.memref_slice %arg10[%dma_start3A_144, %dma_start3A_145] : memref<2x128xi32, #tpu.memory_space<vmem>> -> memref<1x128xi32, #tpu.memory_space<vmem>>
      %dma_start3A_147 = tpu.memref_squeeze %dma_start3A_146 : memref<1x128xi32, #tpu.memory_space<vmem>> -> memref<128xi32, #tpu.memory_space<vmem>>
      %dma_start3A_148 = arith.constant 0 : i32
      %dma_start3A_149 = arith.constant 0 : i32
      %dma_start3A_150 = tpu.memref_slice %arg15[%dma_start3A_148, %dma_start3A_149] : memref<10112x128xf32, #tpu.memory_space<vmem_shared>> -> memref<10112x128xf32, #tpu.memory_space<vmem_shared>>
      tpu.enqueue_indirect_dma source(%arg14 : memref<128x128xf32, #tpu.memory_space<vmem>>) target(%dma_start3A_150 : memref<10112x128xf32, #tpu.memory_space<vmem_shared>>) offsets(%dma_start3A_147 : memref<128xi32, #tpu.memory_space<vmem>>) semaphore(%arg23 : memref<!tpu.dma_semaphore, #tpu.memory_space<semaphore_mem>>) {add = true}
      %dma_start3A_151 = arith.constant 1 : i32
      %dma_start3A_152 = arith.constant 0 : i32
      %dma_start3A_153 = tpu.memref_slice %arg10[%dma_start3A_151, %dma_start3A_152] : memref<2x128xi32, #tpu.memory_space<vmem>> -> memref<1x128xi32, #tpu.memory_space<vmem>>
      %dma_start3A_154 = tpu.memref_squeeze %dma_start3A_153 : memref<1x128xi32, #tpu.memory_space<vmem>> -> memref<128xi32, #tpu.memory_space<vmem>>
      %dma_start3A_155 = arith.constant 0 : i32
      %dma_start3A_156 = arith.constant 0 : i32
      %dma_start3A_157 = tpu.memref_slice %arg25[%dma_start3A_155, %dma_start3A_156] : memref<10112x16xf32, #tpu.memory_space<vmem_shared>> -> memref<10112x16xf32, #tpu.memory_space<vmem_shared>>
      tpu.enqueue_indirect_dma source(%arg24 : memref<128x16xf32, #tpu.memory_space<vmem>>) target(%dma_start3A_157 : memref<10112x16xf32, #tpu.memory_space<vmem_shared>>) offsets(%dma_start3A_154 : memref<128xi32, #tpu.memory_space<vmem>>) semaphore(%arg23 : memref<!tpu.dma_semaphore, #tpu.memory_space<semaphore_mem>>) {add = true}
      %mul3A_158 = arith.constant 4 : i32
      %mul3A_159 = arith.muli %mul3A_158, %scan3A_70 : i32
      %add3A_160 = arith.constant 2 : i32
      %add3A_161 = arith.addi %mul3A_159, %add3A_160 : i32
      %sub3A_162 = arith.constant 1 : i32
      %sub3A_163 = arith.subi %add3A_161, %sub3A_162 : i32
      %ge3A_164 = arith.constant 0 : i32
      %ge3A_165 = arith.cmpi sge, %sub3A_163, %ge3A_164 : i32
      %convert_element_type3A_166 = arith.extui %ge3A_165 : i1 to i32
      %cond3A_167 = arith.constant 0 : i32
      %cond3A_168 = arith.cmpi ne, %convert_element_type3A_166, %cond3A_167 : i32
      scf.if %cond3A_168 {
        %sub3A_250 = arith.constant 1 : i32
        %sub3A_251 = arith.subi %add3A_161, %sub3A_250 : i32
        %dma_wait3A_252 = arith.constant 1 : i32
        %dma_wait3A_253 = arith.constant 0 : i32
        %dma_wait3A_254 = tpu.memref_slice %arg10[%dma_wait3A_252, %dma_wait3A_253] : memref<2x128xi32, #tpu.memory_space<vmem>> -> memref<1x128xi32, #tpu.memory_space<vmem>>
        %dma_wait3A_255 = tpu.memref_squeeze %dma_wait3A_254 : memref<1x128xi32, #tpu.memory_space<vmem>> -> memref<128xi32, #tpu.memory_space<vmem>>
        %dma_wait3A_256 = arith.constant 0 : i32
        %dma_wait3A_257 = arith.constant 0 : i32
        %dma_wait3A_258 = tpu.memref_slice %arg15[%dma_wait3A_256, %dma_wait3A_257] : memref<10112x128xf32, #tpu.memory_space<vmem_shared>> -> memref<10112x128xf32, #tpu.memory_space<vmem_shared>>
        tpu.wait_indirect_dma semaphore(%arg23 : memref<!tpu.dma_semaphore, #tpu.memory_space<semaphore_mem>>) src(%arg14 : memref<128x128xf32, #tpu.memory_space<vmem>>) dst(%dma_wait3A_258 : memref<10112x128xf32, #tpu.memory_space<vmem_shared>>)
        %dma_wait3A_259 = arith.constant 1 : i32
        %dma_wait3A_260 = arith.constant 0 : i32
        %dma_wait3A_261 = tpu.memref_slice %arg10[%dma_wait3A_259, %dma_wait3A_260] : memref<2x128xi32, #tpu.memory_space<vmem>> -> memref<1x128xi32, #tpu.memory_space<vmem>>
        %dma_wait3A_262 = tpu.memref_squeeze %dma_wait3A_261 : memref<1x128xi32, #tpu.memory_space<vmem>> -> memref<128xi32, #tpu.memory_space<vmem>>
        %dma_wait3A_263 = arith.constant 0 : i32
        %dma_wait3A_264 = arith.constant 0 : i32
        %dma_wait3A_265 = tpu.memref_slice %arg25[%dma_wait3A_263, %dma_wait3A_264] : memref<10112x16xf32, #tpu.memory_space<vmem_shared>> -> memref<10112x16xf32, #tpu.memory_space<vmem_shared>>
        tpu.wait_indirect_dma semaphore(%arg23 : memref<!tpu.dma_semaphore, #tpu.memory_space<semaphore_mem>>) src(%arg24 : memref<128x16xf32, #tpu.memory_space<vmem>>) dst(%dma_wait3A_265 : memref<10112x16xf32, #tpu.memory_space<vmem_shared>>)
      } else {
      }
      %add3A_169 = arith.constant 3 : i32
      %add3A_170 = arith.addi %add3A_161, %add3A_169 : i32
      %lt3A_171 = arith.constant 80 : i32
      %lt3A_172 = arith.cmpi slt, %add3A_170, %lt3A_171 : i32
      %convert_element_type3A_173 = arith.extui %lt3A_172 : i1 to i32
      %cond3A_174 = arith.constant 0 : i32
      %cond3A_175 = arith.cmpi ne, %convert_element_type3A_173, %cond3A_174 : i32
      scf.if %cond3A_175 {
        %add3A_250 = arith.constant 3 : i32
        %add3A_251 = arith.addi %add3A_161, %add3A_250 : i32
        %add3A_252 = arith.addi %mul3A_4, %add3A_251 : i32
        %dma_start3A_253 = arith.constant 0 : i32
        %dma_start3A_254 = arith.constant 0 : i32
        %dma_start3A_255 = tpu.memref_slice %arg3[%add3A_252, %dma_start3A_253, %dma_start3A_254] : memref<2560x2x128xi32, #tpu.memory_space<hbm>> -> memref<1x2x128xi32, #tpu.memory_space<hbm>>
        %dma_start3A_256 = tpu.memref_squeeze %dma_start3A_255 : memref<1x2x128xi32, #tpu.memory_space<hbm>> -> memref<2x128xi32, #tpu.memory_space<hbm>>
        %dma_start3A_257 = arith.constant 0 : i32
        %dma_start3A_258 = arith.constant 0 : i32
        %dma_start3A_259 = tpu.memref_slice %arg3[%add3A_252, %dma_start3A_257, %dma_start3A_258] : memref<2560x2x128xi32, #tpu.memory_space<hbm>> -> memref<1x2x128xi32, #tpu.memory_space<hbm>>
        %dma_start3A_260 = tpu.memref_squeeze %dma_start3A_259 : memref<1x2x128xi32, #tpu.memory_space<hbm>> -> memref<2x128xi32, #tpu.memory_space<hbm>>
        tpu.enqueue_dma source(%dma_start3A_260 : memref<2x128xi32, #tpu.memory_space<hbm>>) target(%arg10 : memref<2x128xi32, #tpu.memory_space<vmem>>) target_semaphore(%arg17 : memref<!tpu.dma_semaphore, #tpu.memory_space<semaphore_mem>>)
      } else {
      }
      %add3A_176 = arith.constant 1 : i32
      %add3A_177 = arith.addi %add3A_161, %add3A_176 : i32
      %lt3A_178 = arith.constant 80 : i32
      %lt3A_179 = arith.cmpi slt, %add3A_177, %lt3A_178 : i32
      %convert_element_type3A_180 = arith.extui %lt3A_179 : i1 to i32
      %cond3A_181 = arith.constant 0 : i32
      %cond3A_182 = arith.cmpi ne, %convert_element_type3A_180, %cond3A_181 : i32
      scf.if %cond3A_182 {
        %add3A_250 = arith.constant 1 : i32
        %add3A_251 = arith.addi %add3A_161, %add3A_250 : i32
        %add3A_252 = arith.addi %mul3A_4, %add3A_251 : i32
        %dma_wait3A_253 = arith.constant 0 : i32
        %dma_wait3A_254 = arith.constant 0 : i32
        %dma_wait3A_255 = tpu.memref_slice %arg3[%add3A_252, %dma_wait3A_253, %dma_wait3A_254] : memref<2560x2x128xi32, #tpu.memory_space<hbm>> -> memref<1x2x128xi32, #tpu.memory_space<hbm>>
        %dma_wait3A_256 = tpu.memref_squeeze %dma_wait3A_255 : memref<1x2x128xi32, #tpu.memory_space<hbm>> -> memref<2x128xi32, #tpu.memory_space<hbm>>
        %dma_wait3A_257 = arith.constant 0 : i32
        %dma_wait3A_258 = arith.constant 0 : i32
        %dma_wait3A_259 = tpu.memref_slice %arg3[%add3A_252, %dma_wait3A_257, %dma_wait3A_258] : memref<2560x2x128xi32, #tpu.memory_space<hbm>> -> memref<1x2x128xi32, #tpu.memory_space<hbm>>
        %dma_wait3A_260 = tpu.memref_squeeze %dma_wait3A_259 : memref<1x2x128xi32, #tpu.memory_space<hbm>> -> memref<2x128xi32, #tpu.memory_space<hbm>>
        tpu.wait_dma2 semaphore(%arg19 : memref<!tpu.dma_semaphore, #tpu.memory_space<semaphore_mem>>) src(%dma_wait3A_260 : memref<2x128xi32, #tpu.memory_space<hbm>>) dst(%arg12 : memref<2x128xi32, #tpu.memory_space<vmem>>)
        %dma_start3A_261 = arith.constant 0 : i32
        %dma_start3A_262 = arith.constant 0 : i32
        %dma_start3A_263 = tpu.memref_slice %arg12[%dma_start3A_261, %dma_start3A_262] : memref<2x128xi32, #tpu.memory_space<vmem>> -> memref<1x128xi32, #tpu.memory_space<vmem>>
        %dma_start3A_264 = tpu.memref_squeeze %dma_start3A_263 : memref<1x128xi32, #tpu.memory_space<vmem>> -> memref<128xi32, #tpu.memory_space<vmem>>
        %dma_start3A_265 = arith.constant 0 : i32
        %dma_start3A_266 = arith.constant 0 : i32
        %dma_start3A_267 = tpu.memref_slice %arg2[%dma_start3A_265, %dma_start3A_266] : memref<10000x128xf32, #tpu.memory_space<hbm>> -> memref<10000x128xf32, #tpu.memory_space<hbm>>
        tpu.enqueue_indirect_dma source(%dma_start3A_267 : memref<10000x128xf32, #tpu.memory_space<hbm>>) target(%arg14 : memref<128x128xf32, #tpu.memory_space<vmem>>) offsets(%dma_start3A_264 : memref<128xi32, #tpu.memory_space<vmem>>) semaphore(%arg21 : memref<!tpu.dma_semaphore, #tpu.memory_space<semaphore_mem>>)
      } else {
      }
      %dma_wait3A_183 = arith.constant 0 : i32
      %dma_wait3A_184 = arith.constant 0 : i32
      %dma_wait3A_185 = tpu.memref_slice %arg11[%dma_wait3A_183, %dma_wait3A_184] : memref<2x128xi32, #tpu.memory_space<vmem>> -> memref<1x128xi32, #tpu.memory_space<vmem>>
      %dma_wait3A_186 = tpu.memref_squeeze %dma_wait3A_185 : memref<1x128xi32, #tpu.memory_space<vmem>> -> memref<128xi32, #tpu.memory_space<vmem>>
      %dma_wait3A_187 = arith.constant 0 : i32
      %dma_wait3A_188 = arith.constant 0 : i32
      %dma_wait3A_189 = tpu.memref_slice %arg2[%dma_wait3A_187, %dma_wait3A_188] : memref<10000x128xf32, #tpu.memory_space<hbm>> -> memref<10000x128xf32, #tpu.memory_space<hbm>>
      tpu.wait_indirect_dma semaphore(%arg20 : memref<!tpu.dma_semaphore, #tpu.memory_space<semaphore_mem>>) src(%dma_wait3A_189 : memref<10000x128xf32, #tpu.memory_space<hbm>>) dst(%arg13 : memref<128x128xf32, #tpu.memory_space<vmem>>)
      %dma_start3A_190 = arith.constant 1 : i32
      %dma_start3A_191 = arith.constant 0 : i32
      %dma_start3A_192 = tpu.memref_slice %arg11[%dma_start3A_190, %dma_start3A_191] : memref<2x128xi32, #tpu.memory_space<vmem>> -> memref<1x128xi32, #tpu.memory_space<vmem>>
      %dma_start3A_193 = tpu.memref_squeeze %dma_start3A_192 : memref<1x128xi32, #tpu.memory_space<vmem>> -> memref<128xi32, #tpu.memory_space<vmem>>
      %dma_start3A_194 = arith.constant 0 : i32
      %dma_start3A_195 = arith.constant 0 : i32
      %dma_start3A_196 = tpu.memref_slice %arg15[%dma_start3A_194, %dma_start3A_195] : memref<10112x128xf32, #tpu.memory_space<vmem_shared>> -> memref<10112x128xf32, #tpu.memory_space<vmem_shared>>
      tpu.enqueue_indirect_dma source(%arg13 : memref<128x128xf32, #tpu.memory_space<vmem>>) target(%dma_start3A_196 : memref<10112x128xf32, #tpu.memory_space<vmem_shared>>) offsets(%dma_start3A_193 : memref<128xi32, #tpu.memory_space<vmem>>) semaphore(%arg22 : memref<!tpu.dma_semaphore, #tpu.memory_space<semaphore_mem>>) {add = true}
      %dma_start3A_197 = arith.constant 1 : i32
      %dma_start3A_198 = arith.constant 0 : i32
      %dma_start3A_199 = tpu.memref_slice %arg11[%dma_start3A_197, %dma_start3A_198] : memref<2x128xi32, #tpu.memory_space<vmem>> -> memref<1x128xi32, #tpu.memory_space<vmem>>
      %dma_start3A_200 = tpu.memref_squeeze %dma_start3A_199 : memref<1x128xi32, #tpu.memory_space<vmem>> -> memref<128xi32, #tpu.memory_space<vmem>>
      %dma_start3A_201 = arith.constant 0 : i32
      %dma_start3A_202 = arith.constant 0 : i32
      %dma_start3A_203 = tpu.memref_slice %arg25[%dma_start3A_201, %dma_start3A_202] : memref<10112x16xf32, #tpu.memory_space<vmem_shared>> -> memref<10112x16xf32, #tpu.memory_space<vmem_shared>>
      tpu.enqueue_indirect_dma source(%arg24 : memref<128x16xf32, #tpu.memory_space<vmem>>) target(%dma_start3A_203 : memref<10112x16xf32, #tpu.memory_space<vmem_shared>>) offsets(%dma_start3A_200 : memref<128xi32, #tpu.memory_space<vmem>>) semaphore(%arg22 : memref<!tpu.dma_semaphore, #tpu.memory_space<semaphore_mem>>) {add = true}
      %mul3A_204 = arith.constant 4 : i32
      %mul3A_205 = arith.muli %mul3A_204, %scan3A_70 : i32
      %add3A_206 = arith.constant 3 : i32
      %add3A_207 = arith.addi %mul3A_205, %add3A_206 : i32
      %sub3A_208 = arith.constant 1 : i32
      %sub3A_209 = arith.subi %add3A_207, %sub3A_208 : i32
      %ge3A_210 = arith.constant 0 : i32
      %ge3A_211 = arith.cmpi sge, %sub3A_209, %ge3A_210 : i32
      %convert_element_type3A_212 = arith.extui %ge3A_211 : i1 to i32
      %cond3A_213 = arith.constant 0 : i32
      %cond3A_214 = arith.cmpi ne, %convert_element_type3A_212, %cond3A_213 : i32
      scf.if %cond3A_214 {
        %sub3A_250 = arith.constant 1 : i32
        %sub3A_251 = arith.subi %add3A_207, %sub3A_250 : i32
        %dma_wait3A_252 = arith.constant 1 : i32
        %dma_wait3A_253 = arith.constant 0 : i32
        %dma_wait3A_254 = tpu.memref_slice %arg11[%dma_wait3A_252, %dma_wait3A_253] : memref<2x128xi32, #tpu.memory_space<vmem>> -> memref<1x128xi32, #tpu.memory_space<vmem>>
        %dma_wait3A_255 = tpu.memref_squeeze %dma_wait3A_254 : memref<1x128xi32, #tpu.memory_space<vmem>> -> memref<128xi32, #tpu.memory_space<vmem>>
        %dma_wait3A_256 = arith.constant 0 : i32
        %dma_wait3A_257 = arith.constant 0 : i32
        %dma_wait3A_258 = tpu.memref_slice %arg15[%dma_wait3A_256, %dma_wait3A_257] : memref<10112x128xf32, #tpu.memory_space<vmem_shared>> -> memref<10112x128xf32, #tpu.memory_space<vmem_shared>>
        tpu.wait_indirect_dma semaphore(%arg22 : memref<!tpu.dma_semaphore, #tpu.memory_space<semaphore_mem>>) src(%arg13 : memref<128x128xf32, #tpu.memory_space<vmem>>) dst(%dma_wait3A_258 : memref<10112x128xf32, #tpu.memory_space<vmem_shared>>)
        %dma_wait3A_259 = arith.constant 1 : i32
        %dma_wait3A_260 = arith.constant 0 : i32
        %dma_wait3A_261 = tpu.memref_slice %arg11[%dma_wait3A_259, %dma_wait3A_260] : memref<2x128xi32, #tpu.memory_space<vmem>> -> memref<1x128xi32, #tpu.memory_space<vmem>>
        %dma_wait3A_262 = tpu.memref_squeeze %dma_wait3A_261 : memref<1x128xi32, #tpu.memory_space<vmem>> -> memref<128xi32, #tpu.memory_space<vmem>>
        %dma_wait3A_263 = arith.constant 0 : i32
        %dma_wait3A_264 = arith.constant 0 : i32
        %dma_wait3A_265 = tpu.memref_slice %arg25[%dma_wait3A_263, %dma_wait3A_264] : memref<10112x16xf32, #tpu.memory_space<vmem_shared>> -> memref<10112x16xf32, #tpu.memory_space<vmem_shared>>
        tpu.wait_indirect_dma semaphore(%arg22 : memref<!tpu.dma_semaphore, #tpu.memory_space<semaphore_mem>>) src(%arg24 : memref<128x16xf32, #tpu.memory_space<vmem>>) dst(%dma_wait3A_265 : memref<10112x16xf32, #tpu.memory_space<vmem_shared>>)
      } else {
      }
      %add3A_215 = arith.constant 3 : i32
      %add3A_216 = arith.addi %add3A_207, %add3A_215 : i32
      %lt3A_217 = arith.constant 80 : i32
      %lt3A_218 = arith.cmpi slt, %add3A_216, %lt3A_217 : i32
      %convert_element_type3A_219 = arith.extui %lt3A_218 : i1 to i32
      %cond3A_220 = arith.constant 0 : i32
      %cond3A_221 = arith.cmpi ne, %convert_element_type3A_219, %cond3A_220 : i32
      scf.if %cond3A_221 {
        %add3A_250 = arith.constant 3 : i32
        %add3A_251 = arith.addi %add3A_207, %add3A_250 : i32
        %add3A_252 = arith.addi %mul3A_4, %add3A_251 : i32
        %dma_start3A_253 = arith.constant 0 : i32
        %dma_start3A_254 = arith.constant 0 : i32
        %dma_start3A_255 = tpu.memref_slice %arg3[%add3A_252, %dma_start3A_253, %dma_start3A_254] : memref<2560x2x128xi32, #tpu.memory_space<hbm>> -> memref<1x2x128xi32, #tpu.memory_space<hbm>>
        %dma_start3A_256 = tpu.memref_squeeze %dma_start3A_255 : memref<1x2x128xi32, #tpu.memory_space<hbm>> -> memref<2x128xi32, #tpu.memory_space<hbm>>
        %dma_start3A_257 = arith.constant 0 : i32
        %dma_start3A_258 = arith.constant 0 : i32
        %dma_start3A_259 = tpu.memref_slice %arg3[%add3A_252, %dma_start3A_257, %dma_start3A_258] : memref<2560x2x128xi32, #tpu.memory_space<hbm>> -> memref<1x2x128xi32, #tpu.memory_space<hbm>>
        %dma_start3A_260 = tpu.memref_squeeze %dma_start3A_259 : memref<1x2x128xi32, #tpu.memory_space<hbm>> -> memref<2x128xi32, #tpu.memory_space<hbm>>
        tpu.enqueue_dma source(%dma_start3A_260 : memref<2x128xi32, #tpu.memory_space<hbm>>) target(%arg11 : memref<2x128xi32, #tpu.memory_space<vmem>>) target_semaphore(%arg18 : memref<!tpu.dma_semaphore, #tpu.memory_space<semaphore_mem>>)
      } else {
      }
      %add3A_222 = arith.constant 1 : i32
      %add3A_223 = arith.addi %add3A_207, %add3A_222 : i32
      %lt3A_224 = arith.constant 80 : i32
      %lt3A_225 = arith.cmpi slt, %add3A_223, %lt3A_224 : i32
      %convert_element_type3A_226 = arith.extui %lt3A_225 : i1 to i32
      %cond3A_227 = arith.constant 0 : i32
      %cond3A_228 = arith.cmpi ne, %convert_element_type3A_226, %cond3A_227 : i32
      scf.if %cond3A_228 {
        %add3A_250 = arith.constant 1 : i32
        %add3A_251 = arith.addi %add3A_207, %add3A_250 : i32
        %add3A_252 = arith.addi %mul3A_4, %add3A_251 : i32
        %dma_wait3A_253 = arith.constant 0 : i32
        %dma_wait3A_254 = arith.constant 0 : i32
        %dma_wait3A_255 = tpu.memref_slice %arg3[%add3A_252, %dma_wait3A_253, %dma_wait3A_254] : memref<2560x2x128xi32, #tpu.memory_space<hbm>> -> memref<1x2x128xi32, #tpu.memory_space<hbm>>
        %dma_wait3A_256 = tpu.memref_squeeze %dma_wait3A_255 : memref<1x2x128xi32, #tpu.memory_space<hbm>> -> memref<2x128xi32, #tpu.memory_space<hbm>>
        %dma_wait3A_257 = arith.constant 0 : i32
        %dma_wait3A_258 = arith.constant 0 : i32
        %dma_wait3A_259 = tpu.memref_slice %arg3[%add3A_252, %dma_wait3A_257, %dma_wait3A_258] : memref<2560x2x128xi32, #tpu.memory_space<hbm>> -> memref<1x2x128xi32, #tpu.memory_space<hbm>>
        %dma_wait3A_260 = tpu.memref_squeeze %dma_wait3A_259 : memref<1x2x128xi32, #tpu.memory_space<hbm>> -> memref<2x128xi32, #tpu.memory_space<hbm>>
        tpu.wait_dma2 semaphore(%arg16 : memref<!tpu.dma_semaphore, #tpu.memory_space<semaphore_mem>>) src(%dma_wait3A_260 : memref<2x128xi32, #tpu.memory_space<hbm>>) dst(%arg9 : memref<2x128xi32, #tpu.memory_space<vmem>>)
        %dma_start3A_261 = arith.constant 0 : i32
        %dma_start3A_262 = arith.constant 0 : i32
        %dma_start3A_263 = tpu.memref_slice %arg9[%dma_start3A_261, %dma_start3A_262] : memref<2x128xi32, #tpu.memory_space<vmem>> -> memref<1x128xi32, #tpu.memory_space<vmem>>
        %dma_start3A_264 = tpu.memref_squeeze %dma_start3A_263 : memref<1x128xi32, #tpu.memory_space<vmem>> -> memref<128xi32, #tpu.memory_space<vmem>>
        %dma_start3A_265 = arith.constant 0 : i32
        %dma_start3A_266 = arith.constant 0 : i32
        %dma_start3A_267 = tpu.memref_slice %arg2[%dma_start3A_265, %dma_start3A_266] : memref<10000x128xf32, #tpu.memory_space<hbm>> -> memref<10000x128xf32, #tpu.memory_space<hbm>>
        tpu.enqueue_indirect_dma source(%dma_start3A_267 : memref<10000x128xf32, #tpu.memory_space<hbm>>) target(%arg13 : memref<128x128xf32, #tpu.memory_space<vmem>>) offsets(%dma_start3A_264 : memref<128xi32, #tpu.memory_space<vmem>>) semaphore(%arg20 : memref<!tpu.dma_semaphore, #tpu.memory_space<semaphore_mem>>)
      } else {
      }
      %dma_wait3A_229 = arith.constant 0 : i32
      %dma_wait3A_230 = arith.constant 0 : i32
      %dma_wait3A_231 = tpu.memref_slice %arg12[%dma_wait3A_229, %dma_wait3A_230] : memref<2x128xi32, #tpu.memory_space<vmem>> -> memref<1x128xi32, #tpu.memory_space<vmem>>
      %dma_wait3A_232 = tpu.memref_squeeze %dma_wait3A_231 : memref<1x128xi32, #tpu.memory_space<vmem>> -> memref<128xi32, #tpu.memory_space<vmem>>
      %dma_wait3A_233 = arith.constant 0 : i32
      %dma_wait3A_234 = arith.constant 0 : i32
      %dma_wait3A_235 = tpu.memref_slice %arg2[%dma_wait3A_233, %dma_wait3A_234] : memref<10000x128xf32, #tpu.memory_space<hbm>> -> memref<10000x128xf32, #tpu.memory_space<hbm>>
      tpu.wait_indirect_dma semaphore(%arg21 : memref<!tpu.dma_semaphore, #tpu.memory_space<semaphore_mem>>) src(%dma_wait3A_235 : memref<10000x128xf32, #tpu.memory_space<hbm>>) dst(%arg14 : memref<128x128xf32, #tpu.memory_space<vmem>>)
      %dma_start3A_236 = arith.constant 1 : i32
      %dma_start3A_237 = arith.constant 0 : i32
      %dma_start3A_238 = tpu.memref_slice %arg12[%dma_start3A_236, %dma_start3A_237] : memref<2x128xi32, #tpu.memory_space<vmem>> -> memref<1x128xi32, #tpu.memory_space<vmem>>
      %dma_start3A_239 = tpu.memref_squeeze %dma_start3A_238 : memref<1x128xi32, #tpu.memory_space<vmem>> -> memref<128xi32, #tpu.memory_space<vmem>>
      %dma_start3A_240 = arith.constant 0 : i32
      %dma_start3A_241 = arith.constant 0 : i32
      %dma_start3A_242 = tpu.memref_slice %arg15[%dma_start3A_240, %dma_start3A_241] : memref<10112x128xf32, #tpu.memory_space<vmem_shared>> -> memref<10112x128xf32, #tpu.memory_space<vmem_shared>>
      tpu.enqueue_indirect_dma source(%arg14 : memref<128x128xf32, #tpu.memory_space<vmem>>) target(%dma_start3A_242 : memref<10112x128xf32, #tpu.memory_space<vmem_shared>>) offsets(%dma_start3A_239 : memref<128xi32, #tpu.memory_space<vmem>>) semaphore(%arg23 : memref<!tpu.dma_semaphore, #tpu.memory_space<semaphore_mem>>) {add = true}
      %dma_start3A_243 = arith.constant 1 : i32
      %dma_start3A_244 = arith.constant 0 : i32
      %dma_start3A_245 = tpu.memref_slice %arg12[%dma_start3A_243, %dma_start3A_244] : memref<2x128xi32, #tpu.memory_space<vmem>> -> memref<1x128xi32, #tpu.memory_space<vmem>>
      %dma_start3A_246 = tpu.memref_squeeze %dma_start3A_245 : memref<1x128xi32, #tpu.memory_space<vmem>> -> memref<128xi32, #tpu.memory_space<vmem>>
      %dma_start3A_247 = arith.constant 0 : i32
      %dma_start3A_248 = arith.constant 0 : i32
      %dma_start3A_249 = tpu.memref_slice %arg25[%dma_start3A_247, %dma_start3A_248] : memref<10112x16xf32, #tpu.memory_space<vmem_shared>> -> memref<10112x16xf32, #tpu.memory_space<vmem_shared>>
      tpu.enqueue_indirect_dma source(%arg24 : memref<128x16xf32, #tpu.memory_space<vmem>>) target(%dma_start3A_249 : memref<10112x16xf32, #tpu.memory_space<vmem_shared>>) offsets(%dma_start3A_246 : memref<128xi32, #tpu.memory_space<vmem>>) semaphore(%arg23 : memref<!tpu.dma_semaphore, #tpu.memory_space<semaphore_mem>>) {add = true}
    }
    %scan3A_54 = arith.constant 20 : i32
    %dma_wait3A_55 = arith.constant 1 : i32
    %dma_wait3A_56 = arith.constant 0 : i32
    %dma_wait3A_57 = tpu.memref_slice %arg12[%dma_wait3A_55, %dma_wait3A_56] : memref<2x128xi32, #tpu.memory_space<vmem>> -> memref<1x128xi32, #tpu.memory_space<vmem>>
    %dma_wait3A_58 = tpu.memref_squeeze %dma_wait3A_57 : memref<1x128xi32, #tpu.memory_space<vmem>> -> memref<128xi32, #tpu.memory_space<vmem>>
    %dma_wait3A_59 = arith.constant 0 : i32
    %dma_wait3A_60 = arith.constant 0 : i32
    %dma_wait3A_61 = tpu.memref_slice %arg15[%dma_wait3A_59, %dma_wait3A_60] : memref<10112x128xf32, #tpu.memory_space<vmem_shared>> -> memref<10112x128xf32, #tpu.memory_space<vmem_shared>>
    tpu.wait_indirect_dma semaphore(%arg23 : memref<!tpu.dma_semaphore, #tpu.memory_space<semaphore_mem>>) src(%arg14 : memref<128x128xf32, #tpu.memory_space<vmem>>) dst(%dma_wait3A_61 : memref<10112x128xf32, #tpu.memory_space<vmem_shared>>)
    %dma_wait3A_62 = arith.constant 1 : i32
    %dma_wait3A_63 = arith.constant 0 : i32
    %dma_wait3A_64 = tpu.memref_slice %arg12[%dma_wait3A_62, %dma_wait3A_63] : memref<2x128xi32, #tpu.memory_space<vmem>> -> memref<1x128xi32, #tpu.memory_space<vmem>>
    %dma_wait3A_65 = tpu.memref_squeeze %dma_wait3A_64 : memref<1x128xi32, #tpu.memory_space<vmem>> -> memref<128xi32, #tpu.memory_space<vmem>>
    %dma_wait3A_66 = arith.constant 0 : i32
    %dma_wait3A_67 = arith.constant 0 : i32
    %dma_wait3A_68 = tpu.memref_slice %arg25[%dma_wait3A_66, %dma_wait3A_67] : memref<10112x16xf32, #tpu.memory_space<vmem_shared>> -> memref<10112x16xf32, #tpu.memory_space<vmem_shared>>
    tpu.wait_indirect_dma semaphore(%arg23 : memref<!tpu.dma_semaphore, #tpu.memory_space<semaphore_mem>>) src(%arg24 : memref<128x16xf32, #tpu.memory_space<vmem>>) dst(%dma_wait3A_68 : memref<10112x16xf32, #tpu.memory_space<vmem_shared>>)
    %barrier3A_69 = arith.constant 0 : index
    tpu.barrier barrier_id(%barrier3A_69)
    "tpu.region"() ({
      %run_scoped3A = tpu.sem_alloc : memref<!tpu.dma_semaphore, #tpu.memory_space<semaphore_mem>>
      %dma_start3A_70 = arith.constant 0 : i32
      %dma_start3A_71 = tpu.memref_slice %arg7[%arg0, %mul3A_2, %dma_start3A_70] : memref<2x10112x128xf32, #tpu.memory_space<hbm>> -> memref<1x632x128xf32, #tpu.memory_space<hbm>>
      %dma_start3A_72 = tpu.memref_squeeze %dma_start3A_71 : memref<1x632x128xf32, #tpu.memory_space<hbm>> -> memref<632x128xf32, #tpu.memory_space<hbm>>
      %dma_start3A_73 = arith.constant 0 : i32
      %dma_start3A_74 = tpu.memref_slice %arg15[%mul3A_2, %dma_start3A_73] : memref<10112x128xf32, #tpu.memory_space<vmem_shared>> -> memref<632x128xf32, #tpu.memory_space<vmem_shared>>
      tpu.enqueue_dma source(%dma_start3A_74 : memref<632x128xf32, #tpu.memory_space<vmem_shared>>) target(%dma_start3A_72 : memref<632x128xf32, #tpu.memory_space<hbm>>) target_semaphore(%run_scoped3A : memref<!tpu.dma_semaphore, #tpu.memory_space<semaphore_mem>>)
      %dma_wait3A_75 = arith.constant 0 : i32
      %dma_wait3A_76 = tpu.memref_slice %arg7[%arg0, %mul3A_2, %dma_wait3A_75] : memref<2x10112x128xf32, #tpu.memory_space<hbm>> -> memref<1x632x128xf32, #tpu.memory_space<hbm>>
      %dma_wait3A_77 = tpu.memref_squeeze %dma_wait3A_76 : memref<1x632x128xf32, #tpu.memory_space<hbm>> -> memref<632x128xf32, #tpu.memory_space<hbm>>
      %dma_wait3A_78 = arith.constant 0 : i32
      %dma_wait3A_79 = tpu.memref_slice %arg15[%mul3A_2, %dma_wait3A_78] : memref<10112x128xf32, #tpu.memory_space<vmem_shared>> -> memref<632x128xf32, #tpu.memory_space<vmem_shared>>
      tpu.wait_dma2 semaphore(%run_scoped3A : memref<!tpu.dma_semaphore, #tpu.memory_space<semaphore_mem>>) src(%dma_wait3A_79 : memref<632x128xf32, #tpu.memory_space<vmem_shared>>) dst(%dma_wait3A_77 : memref<632x128xf32, #tpu.memory_space<hbm>>)
      tpu.yield
    }) : () -> ()
    "tpu.region"() ({
      %run_scoped3A = tpu.sem_alloc : memref<!tpu.dma_semaphore, #tpu.memory_space<semaphore_mem>>
      %dma_start3A_70 = arith.constant 0 : i32
      %dma_start3A_71 = tpu.memref_slice %arg8[%arg0, %mul3A_2, %dma_start3A_70] : memref<2x10112x16xf32, #tpu.memory_space<hbm>> -> memref<1x632x16xf32, #tpu.memory_space<hbm>>
      %dma_start3A_72 = tpu.memref_squeeze %dma_start3A_71 : memref<1x632x16xf32, #tpu.memory_space<hbm>> -> memref<632x16xf32, #tpu.memory_space<hbm>>
      %dma_start3A_73 = arith.constant 0 : i32
      %dma_start3A_74 = tpu.memref_slice %arg25[%mul3A_2, %dma_start3A_73] : memref<10112x16xf32, #tpu.memory_space<vmem_shared>> -> memref<632x16xf32, #tpu.memory_space<vmem_shared>>
      tpu.enqueue_dma source(%dma_start3A_74 : memref<632x16xf32, #tpu.memory_space<vmem_shared>>) target(%dma_start3A_72 : memref<632x16xf32, #tpu.memory_space<hbm>>) target_semaphore(%run_scoped3A : memref<!tpu.dma_semaphore, #tpu.memory_space<semaphore_mem>>)
      %dma_wait3A_75 = arith.constant 0 : i32
      %dma_wait3A_76 = tpu.memref_slice %arg8[%arg0, %mul3A_2, %dma_wait3A_75] : memref<2x10112x16xf32, #tpu.memory_space<hbm>> -> memref<1x632x16xf32, #tpu.memory_space<hbm>>
      %dma_wait3A_77 = tpu.memref_squeeze %dma_wait3A_76 : memref<1x632x16xf32, #tpu.memory_space<hbm>> -> memref<632x16xf32, #tpu.memory_space<hbm>>
      %dma_wait3A_78 = arith.constant 0 : i32
      %dma_wait3A_79 = tpu.memref_slice %arg25[%mul3A_2, %dma_wait3A_78] : memref<10112x16xf32, #tpu.memory_space<vmem_shared>> -> memref<632x16xf32, #tpu.memory_space<vmem_shared>>
      tpu.wait_dma2 semaphore(%run_scoped3A : memref<!tpu.dma_semaphore, #tpu.memory_space<semaphore_mem>>) src(%dma_wait3A_79 : memref<632x16xf32, #tpu.memory_space<vmem_shared>>) dst(%dma_wait3A_77 : memref<632x16xf32, #tpu.memory_space<hbm>>)
      tpu.yield
    }) : () -> ()
    return
  }
}

#map = affine_map<(d0, d1) -> (0, 0)>
#map1 = affine_map<(d0, d1) -> (0, 0, 0)>
module attributes {stable_mosaic.version = 14 : i64} {
  func.func @sc_agg(%arg0: i32, %arg1: i32, %arg2: memref<10000x128xf32, #tpu.memory_space<hbm>>, %arg3: memref<2560x2x128xi32, #tpu.memory_space<hbm>>, %arg4: memref<632x128xf32, #tpu.memory_space<hbm>>, %arg5: memref<2x10112x128xf32, #tpu.memory_space<hbm>>, %arg6: memref<2x128xi32, #tpu.memory_space<vmem>>, %arg7: memref<2x128xi32, #tpu.memory_space<vmem>>, %arg8: memref<2x128xi32, #tpu.memory_space<vmem>>, %arg9: memref<2x128xi32, #tpu.memory_space<vmem>>, %arg10: memref<128x128xf32, #tpu.memory_space<vmem>>, %arg11: memref<128x128xf32, #tpu.memory_space<vmem>>, %arg12: memref<10112x128xf32, #tpu.memory_space<vmem_shared>>, %arg13: memref<!tpu.dma_semaphore, #tpu.memory_space<semaphore_mem>>, %arg14: memref<!tpu.dma_semaphore, #tpu.memory_space<semaphore_mem>>, %arg15: memref<!tpu.dma_semaphore, #tpu.memory_space<semaphore_mem>>, %arg16: memref<!tpu.dma_semaphore, #tpu.memory_space<semaphore_mem>>, %arg17: memref<!tpu.dma_semaphore, #tpu.memory_space<semaphore_mem>>, %arg18: memref<!tpu.dma_semaphore, #tpu.memory_space<semaphore_mem>>, %arg19: memref<!tpu.dma_semaphore, #tpu.memory_space<semaphore_mem>>, %arg20: memref<!tpu.dma_semaphore, #tpu.memory_space<semaphore_mem>>) attributes {dimension_semantics = [#tpu.dimension_semantics<core_parallel>, #tpu.dimension_semantics<subcore_parallel>], iteration_bounds = array<i64: 2, 16>, scalar_prefetch = 0 : i64, scratch_operands = 15 : i64, tpu.core_type = #tpu.core_type<sc_vector_subcore>, window_params = [{transform_indices = #map}, {transform_indices = #map1}, {transform_indices = #map}, {transform_indices = #map1}]} {
    %mul3A = arith.constant 2 : i32
    %mul3A_0 = arith.muli %arg1, %mul3A : i32
    %add3A = arith.addi %mul3A_0, %arg0 : i32
    %mul3A_1 = arith.constant 632 : i32
    %mul3A_2 = arith.muli %arg1, %mul3A_1 : i32
    %mul3A_3 = arith.constant 80 : i32
    %mul3A_4 = arith.muli %add3A, %mul3A_3 : i32
    "tpu.region"() ({
      %run_scoped3A = tpu.sem_alloc : memref<!tpu.dma_semaphore, #tpu.memory_space<semaphore_mem>>
      %dma_start3A_63 = arith.constant 0 : i32
      %dma_start3A_64 = tpu.memref_slice %arg12[%mul3A_2, %dma_start3A_63] : memref<10112x128xf32, #tpu.memory_space<vmem_shared>> -> memref<632x128xf32, #tpu.memory_space<vmem_shared>>
      tpu.enqueue_dma source(%arg4 : memref<632x128xf32, #tpu.memory_space<hbm>>) target(%dma_start3A_64 : memref<632x128xf32, #tpu.memory_space<vmem_shared>>) target_semaphore(%run_scoped3A : memref<!tpu.dma_semaphore, #tpu.memory_space<semaphore_mem>>)
      %dma_wait3A_65 = arith.constant 0 : i32
      %dma_wait3A_66 = tpu.memref_slice %arg12[%mul3A_2, %dma_wait3A_65] : memref<10112x128xf32, #tpu.memory_space<vmem_shared>> -> memref<632x128xf32, #tpu.memory_space<vmem_shared>>
      tpu.wait_dma2 semaphore(%run_scoped3A : memref<!tpu.dma_semaphore, #tpu.memory_space<semaphore_mem>>) src(%arg4 : memref<632x128xf32, #tpu.memory_space<hbm>>) dst(%dma_wait3A_66 : memref<632x128xf32, #tpu.memory_space<vmem_shared>>)
      tpu.yield
    }) : () -> ()
    %barrier3A = arith.constant 0 : index
    tpu.barrier barrier_id(%barrier3A)
    %add3A_5 = arith.constant 0 : i32
    %add3A_6 = arith.addi %mul3A_4, %add3A_5 : i32
    %dma_start3A = arith.constant 0 : i32
    %dma_start3A_7 = arith.constant 0 : i32
    %dma_start3A_8 = tpu.memref_slice %arg3[%add3A_6, %dma_start3A, %dma_start3A_7] : memref<2560x2x128xi32, #tpu.memory_space<hbm>> -> memref<1x2x128xi32, #tpu.memory_space<hbm>>
    %dma_start3A_9 = tpu.memref_squeeze %dma_start3A_8 : memref<1x2x128xi32, #tpu.memory_space<hbm>> -> memref<2x128xi32, #tpu.memory_space<hbm>>
    %dma_start3A_10 = arith.constant 0 : i32
    %dma_start3A_11 = arith.constant 0 : i32
    %dma_start3A_12 = tpu.memref_slice %arg3[%add3A_6, %dma_start3A_10, %dma_start3A_11] : memref<2560x2x128xi32, #tpu.memory_space<hbm>> -> memref<1x2x128xi32, #tpu.memory_space<hbm>>
    %dma_start3A_13 = tpu.memref_squeeze %dma_start3A_12 : memref<1x2x128xi32, #tpu.memory_space<hbm>> -> memref<2x128xi32, #tpu.memory_space<hbm>>
    tpu.enqueue_dma source(%dma_start3A_13 : memref<2x128xi32, #tpu.memory_space<hbm>>) target(%arg6 : memref<2x128xi32, #tpu.memory_space<vmem>>) target_semaphore(%arg13 : memref<!tpu.dma_semaphore, #tpu.memory_space<semaphore_mem>>)
    %add3A_14 = arith.constant 1 : i32
    %add3A_15 = arith.addi %mul3A_4, %add3A_14 : i32
    %dma_start3A_16 = arith.constant 0 : i32
    %dma_start3A_17 = arith.constant 0 : i32
    %dma_start3A_18 = tpu.memref_slice %arg3[%add3A_15, %dma_start3A_16, %dma_start3A_17] : memref<2560x2x128xi32, #tpu.memory_space<hbm>> -> memref<1x2x128xi32, #tpu.memory_space<hbm>>
    %dma_start3A_19 = tpu.memref_squeeze %dma_start3A_18 : memref<1x2x128xi32, #tpu.memory_space<hbm>> -> memref<2x128xi32, #tpu.memory_space<hbm>>
    %dma_start3A_20 = arith.constant 0 : i32
    %dma_start3A_21 = arith.constant 0 : i32
    %dma_start3A_22 = tpu.memref_slice %arg3[%add3A_15, %dma_start3A_20, %dma_start3A_21] : memref<2560x2x128xi32, #tpu.memory_space<hbm>> -> memref<1x2x128xi32, #tpu.memory_space<hbm>>
    %dma_start3A_23 = tpu.memref_squeeze %dma_start3A_22 : memref<1x2x128xi32, #tpu.memory_space<hbm>> -> memref<2x128xi32, #tpu.memory_space<hbm>>
    tpu.enqueue_dma source(%dma_start3A_23 : memref<2x128xi32, #tpu.memory_space<hbm>>) target(%arg7 : memref<2x128xi32, #tpu.memory_space<vmem>>) target_semaphore(%arg14 : memref<!tpu.dma_semaphore, #tpu.memory_space<semaphore_mem>>)
    %add3A_24 = arith.constant 2 : i32
    %add3A_25 = arith.addi %mul3A_4, %add3A_24 : i32
    %dma_start3A_26 = arith.constant 0 : i32
    %dma_start3A_27 = arith.constant 0 : i32
    %dma_start3A_28 = tpu.memref_slice %arg3[%add3A_25, %dma_start3A_26, %dma_start3A_27] : memref<2560x2x128xi32, #tpu.memory_space<hbm>> -> memref<1x2x128xi32, #tpu.memory_space<hbm>>
    %dma_start3A_29 = tpu.memref_squeeze %dma_start3A_28 : memref<1x2x128xi32, #tpu.memory_space<hbm>> -> memref<2x128xi32, #tpu.memory_space<hbm>>
    %dma_start3A_30 = arith.constant 0 : i32
    %dma_start3A_31 = arith.constant 0 : i32
    %dma_start3A_32 = tpu.memref_slice %arg3[%add3A_25, %dma_start3A_30, %dma_start3A_31] : memref<2560x2x128xi32, #tpu.memory_space<hbm>> -> memref<1x2x128xi32, #tpu.memory_space<hbm>>
    %dma_start3A_33 = tpu.memref_squeeze %dma_start3A_32 : memref<1x2x128xi32, #tpu.memory_space<hbm>> -> memref<2x128xi32, #tpu.memory_space<hbm>>
    tpu.enqueue_dma source(%dma_start3A_33 : memref<2x128xi32, #tpu.memory_space<hbm>>) target(%arg8 : memref<2x128xi32, #tpu.memory_space<vmem>>) target_semaphore(%arg15 : memref<!tpu.dma_semaphore, #tpu.memory_space<semaphore_mem>>)
    %add3A_34 = arith.constant 0 : i32
    %add3A_35 = arith.addi %mul3A_4, %add3A_34 : i32
    %dma_wait3A = arith.constant 0 : i32
    %dma_wait3A_36 = arith.constant 0 : i32
    %dma_wait3A_37 = tpu.memref_slice %arg3[%add3A_35, %dma_wait3A, %dma_wait3A_36] : memref<2560x2x128xi32, #tpu.memory_space<hbm>> -> memref<1x2x128xi32, #tpu.memory_space<hbm>>
    %dma_wait3A_38 = tpu.memref_squeeze %dma_wait3A_37 : memref<1x2x128xi32, #tpu.memory_space<hbm>> -> memref<2x128xi32, #tpu.memory_space<hbm>>
    %dma_wait3A_39 = arith.constant 0 : i32
    %dma_wait3A_40 = arith.constant 0 : i32
    %dma_wait3A_41 = tpu.memref_slice %arg3[%add3A_35, %dma_wait3A_39, %dma_wait3A_40] : memref<2560x2x128xi32, #tpu.memory_space<hbm>> -> memref<1x2x128xi32, #tpu.memory_space<hbm>>
    %dma_wait3A_42 = tpu.memref_squeeze %dma_wait3A_41 : memref<1x2x128xi32, #tpu.memory_space<hbm>> -> memref<2x128xi32, #tpu.memory_space<hbm>>
    tpu.wait_dma2 semaphore(%arg13 : memref<!tpu.dma_semaphore, #tpu.memory_space<semaphore_mem>>) src(%dma_wait3A_42 : memref<2x128xi32, #tpu.memory_space<hbm>>) dst(%arg6 : memref<2x128xi32, #tpu.memory_space<vmem>>)
    %dma_start3A_43 = arith.constant 0 : i32
    %dma_start3A_44 = arith.constant 0 : i32
    %dma_start3A_45 = tpu.memref_slice %arg6[%dma_start3A_43, %dma_start3A_44] : memref<2x128xi32, #tpu.memory_space<vmem>> -> memref<1x128xi32, #tpu.memory_space<vmem>>
    %dma_start3A_46 = tpu.memref_squeeze %dma_start3A_45 : memref<1x128xi32, #tpu.memory_space<vmem>> -> memref<128xi32, #tpu.memory_space<vmem>>
    %dma_start3A_47 = arith.constant 0 : i32
    %dma_start3A_48 = arith.constant 0 : i32
    %dma_start3A_49 = tpu.memref_slice %arg2[%dma_start3A_47, %dma_start3A_48] : memref<10000x128xf32, #tpu.memory_space<hbm>> -> memref<10000x128xf32, #tpu.memory_space<hbm>>
    tpu.enqueue_indirect_dma source(%dma_start3A_49 : memref<10000x128xf32, #tpu.memory_space<hbm>>) target(%arg10 : memref<128x128xf32, #tpu.memory_space<vmem>>) offsets(%dma_start3A_46 : memref<128xi32, #tpu.memory_space<vmem>>) semaphore(%arg17 : memref<!tpu.dma_semaphore, #tpu.memory_space<semaphore_mem>>)
    %scan3A = arith.constant 0 : i32
    %scan3A_50 = arith.constant 0 : i32
    %scan3A_51 = arith.constant 20 : i32
    %scan3A_52 = arith.addi %scan3A_50, %scan3A_51 : i32
    %scan3A_53 = arith.constant 1 : i32
    scf.for %scan3A_63 = %scan3A_50 to %scan3A_52 step %scan3A_53  : i32 {
      %mul3A_64 = arith.constant 4 : i32
      %mul3A_65 = arith.muli %mul3A_64, %scan3A_63 : i32
      %add3A_66 = arith.constant 0 : i32
      %add3A_67 = arith.addi %mul3A_65, %add3A_66 : i32
      %sub3A = arith.constant 1 : i32
      %sub3A_68 = arith.subi %add3A_67, %sub3A : i32
      %ge3A = arith.constant 0 : i32
      %ge3A_69 = arith.cmpi sge, %sub3A_68, %ge3A : i32
      %convert_element_type3A = arith.extui %ge3A_69 : i1 to i32
      %cond3A = arith.constant 0 : i32
      %cond3A_70 = arith.cmpi ne, %convert_element_type3A, %cond3A : i32
      scf.if %cond3A_70 {
        %sub3A_215 = arith.constant 1 : i32
        %sub3A_216 = arith.subi %add3A_67, %sub3A_215 : i32
        %dma_wait3A_217 = arith.constant 1 : i32
        %dma_wait3A_218 = arith.constant 0 : i32
        %dma_wait3A_219 = tpu.memref_slice %arg9[%dma_wait3A_217, %dma_wait3A_218] : memref<2x128xi32, #tpu.memory_space<vmem>> -> memref<1x128xi32, #tpu.memory_space<vmem>>
        %dma_wait3A_220 = tpu.memref_squeeze %dma_wait3A_219 : memref<1x128xi32, #tpu.memory_space<vmem>> -> memref<128xi32, #tpu.memory_space<vmem>>
        %dma_wait3A_221 = arith.constant 0 : i32
        %dma_wait3A_222 = arith.constant 0 : i32
        %dma_wait3A_223 = tpu.memref_slice %arg12[%dma_wait3A_221, %dma_wait3A_222] : memref<10112x128xf32, #tpu.memory_space<vmem_shared>> -> memref<10112x128xf32, #tpu.memory_space<vmem_shared>>
        tpu.wait_indirect_dma semaphore(%arg20 : memref<!tpu.dma_semaphore, #tpu.memory_space<semaphore_mem>>) src(%arg11 : memref<128x128xf32, #tpu.memory_space<vmem>>) dst(%dma_wait3A_223 : memref<10112x128xf32, #tpu.memory_space<vmem_shared>>)
      } else {
      }
      %add3A_71 = arith.constant 3 : i32
      %add3A_72 = arith.addi %add3A_67, %add3A_71 : i32
      %lt3A = arith.constant 80 : i32
      %lt3A_73 = arith.cmpi slt, %add3A_72, %lt3A : i32
      %convert_element_type3A_74 = arith.extui %lt3A_73 : i1 to i32
      %cond3A_75 = arith.constant 0 : i32
      %cond3A_76 = arith.cmpi ne, %convert_element_type3A_74, %cond3A_75 : i32
      scf.if %cond3A_76 {
        %add3A_215 = arith.constant 3 : i32
        %add3A_216 = arith.addi %add3A_67, %add3A_215 : i32
        %add3A_217 = arith.addi %mul3A_4, %add3A_216 : i32
        %dma_start3A_218 = arith.constant 0 : i32
        %dma_start3A_219 = arith.constant 0 : i32
        %dma_start3A_220 = tpu.memref_slice %arg3[%add3A_217, %dma_start3A_218, %dma_start3A_219] : memref<2560x2x128xi32, #tpu.memory_space<hbm>> -> memref<1x2x128xi32, #tpu.memory_space<hbm>>
        %dma_start3A_221 = tpu.memref_squeeze %dma_start3A_220 : memref<1x2x128xi32, #tpu.memory_space<hbm>> -> memref<2x128xi32, #tpu.memory_space<hbm>>
        %dma_start3A_222 = arith.constant 0 : i32
        %dma_start3A_223 = arith.constant 0 : i32
        %dma_start3A_224 = tpu.memref_slice %arg3[%add3A_217, %dma_start3A_222, %dma_start3A_223] : memref<2560x2x128xi32, #tpu.memory_space<hbm>> -> memref<1x2x128xi32, #tpu.memory_space<hbm>>
        %dma_start3A_225 = tpu.memref_squeeze %dma_start3A_224 : memref<1x2x128xi32, #tpu.memory_space<hbm>> -> memref<2x128xi32, #tpu.memory_space<hbm>>
        tpu.enqueue_dma source(%dma_start3A_225 : memref<2x128xi32, #tpu.memory_space<hbm>>) target(%arg9 : memref<2x128xi32, #tpu.memory_space<vmem>>) target_semaphore(%arg16 : memref<!tpu.dma_semaphore, #tpu.memory_space<semaphore_mem>>)
      } else {
      }
      %add3A_77 = arith.constant 1 : i32
      %add3A_78 = arith.addi %add3A_67, %add3A_77 : i32
      %lt3A_79 = arith.constant 80 : i32
      %lt3A_80 = arith.cmpi slt, %add3A_78, %lt3A_79 : i32
      %convert_element_type3A_81 = arith.extui %lt3A_80 : i1 to i32
      %cond3A_82 = arith.constant 0 : i32
      %cond3A_83 = arith.cmpi ne, %convert_element_type3A_81, %cond3A_82 : i32
      scf.if %cond3A_83 {
        %add3A_215 = arith.constant 1 : i32
        %add3A_216 = arith.addi %add3A_67, %add3A_215 : i32
        %add3A_217 = arith.addi %mul3A_4, %add3A_216 : i32
        %dma_wait3A_218 = arith.constant 0 : i32
        %dma_wait3A_219 = arith.constant 0 : i32
        %dma_wait3A_220 = tpu.memref_slice %arg3[%add3A_217, %dma_wait3A_218, %dma_wait3A_219] : memref<2560x2x128xi32, #tpu.memory_space<hbm>> -> memref<1x2x128xi32, #tpu.memory_space<hbm>>
        %dma_wait3A_221 = tpu.memref_squeeze %dma_wait3A_220 : memref<1x2x128xi32, #tpu.memory_space<hbm>> -> memref<2x128xi32, #tpu.memory_space<hbm>>
        %dma_wait3A_222 = arith.constant 0 : i32
        %dma_wait3A_223 = arith.constant 0 : i32
        %dma_wait3A_224 = tpu.memref_slice %arg3[%add3A_217, %dma_wait3A_222, %dma_wait3A_223] : memref<2560x2x128xi32, #tpu.memory_space<hbm>> -> memref<1x2x128xi32, #tpu.memory_space<hbm>>
        %dma_wait3A_225 = tpu.memref_squeeze %dma_wait3A_224 : memref<1x2x128xi32, #tpu.memory_space<hbm>> -> memref<2x128xi32, #tpu.memory_space<hbm>>
        tpu.wait_dma2 semaphore(%arg14 : memref<!tpu.dma_semaphore, #tpu.memory_space<semaphore_mem>>) src(%dma_wait3A_225 : memref<2x128xi32, #tpu.memory_space<hbm>>) dst(%arg7 : memref<2x128xi32, #tpu.memory_space<vmem>>)
        %dma_start3A_226 = arith.constant 0 : i32
        %dma_start3A_227 = arith.constant 0 : i32
        %dma_start3A_228 = tpu.memref_slice %arg7[%dma_start3A_226, %dma_start3A_227] : memref<2x128xi32, #tpu.memory_space<vmem>> -> memref<1x128xi32, #tpu.memory_space<vmem>>
        %dma_start3A_229 = tpu.memref_squeeze %dma_start3A_228 : memref<1x128xi32, #tpu.memory_space<vmem>> -> memref<128xi32, #tpu.memory_space<vmem>>
        %dma_start3A_230 = arith.constant 0 : i32
        %dma_start3A_231 = arith.constant 0 : i32
        %dma_start3A_232 = tpu.memref_slice %arg2[%dma_start3A_230, %dma_start3A_231] : memref<10000x128xf32, #tpu.memory_space<hbm>> -> memref<10000x128xf32, #tpu.memory_space<hbm>>
        tpu.enqueue_indirect_dma source(%dma_start3A_232 : memref<10000x128xf32, #tpu.memory_space<hbm>>) target(%arg11 : memref<128x128xf32, #tpu.memory_space<vmem>>) offsets(%dma_start3A_229 : memref<128xi32, #tpu.memory_space<vmem>>) semaphore(%arg18 : memref<!tpu.dma_semaphore, #tpu.memory_space<semaphore_mem>>)
      } else {
      }
      %dma_wait3A_84 = arith.constant 0 : i32
      %dma_wait3A_85 = arith.constant 0 : i32
      %dma_wait3A_86 = tpu.memref_slice %arg6[%dma_wait3A_84, %dma_wait3A_85] : memref<2x128xi32, #tpu.memory_space<vmem>> -> memref<1x128xi32, #tpu.memory_space<vmem>>
      %dma_wait3A_87 = tpu.memref_squeeze %dma_wait3A_86 : memref<1x128xi32, #tpu.memory_space<vmem>> -> memref<128xi32, #tpu.memory_space<vmem>>
      %dma_wait3A_88 = arith.constant 0 : i32
      %dma_wait3A_89 = arith.constant 0 : i32
      %dma_wait3A_90 = tpu.memref_slice %arg2[%dma_wait3A_88, %dma_wait3A_89] : memref<10000x128xf32, #tpu.memory_space<hbm>> -> memref<10000x128xf32, #tpu.memory_space<hbm>>
      tpu.wait_indirect_dma semaphore(%arg17 : memref<!tpu.dma_semaphore, #tpu.memory_space<semaphore_mem>>) src(%dma_wait3A_90 : memref<10000x128xf32, #tpu.memory_space<hbm>>) dst(%arg10 : memref<128x128xf32, #tpu.memory_space<vmem>>)
      %dma_start3A_91 = arith.constant 1 : i32
      %dma_start3A_92 = arith.constant 0 : i32
      %dma_start3A_93 = tpu.memref_slice %arg6[%dma_start3A_91, %dma_start3A_92] : memref<2x128xi32, #tpu.memory_space<vmem>> -> memref<1x128xi32, #tpu.memory_space<vmem>>
      %dma_start3A_94 = tpu.memref_squeeze %dma_start3A_93 : memref<1x128xi32, #tpu.memory_space<vmem>> -> memref<128xi32, #tpu.memory_space<vmem>>
      %dma_start3A_95 = arith.constant 0 : i32
      %dma_start3A_96 = arith.constant 0 : i32
      %dma_start3A_97 = tpu.memref_slice %arg12[%dma_start3A_95, %dma_start3A_96] : memref<10112x128xf32, #tpu.memory_space<vmem_shared>> -> memref<10112x128xf32, #tpu.memory_space<vmem_shared>>
      tpu.enqueue_indirect_dma source(%arg10 : memref<128x128xf32, #tpu.memory_space<vmem>>) target(%dma_start3A_97 : memref<10112x128xf32, #tpu.memory_space<vmem_shared>>) offsets(%dma_start3A_94 : memref<128xi32, #tpu.memory_space<vmem>>) semaphore(%arg19 : memref<!tpu.dma_semaphore, #tpu.memory_space<semaphore_mem>>) {add = true}
      %mul3A_98 = arith.constant 4 : i32
      %mul3A_99 = arith.muli %mul3A_98, %scan3A_63 : i32
      %add3A_100 = arith.constant 1 : i32
      %add3A_101 = arith.addi %mul3A_99, %add3A_100 : i32
      %sub3A_102 = arith.constant 1 : i32
      %sub3A_103 = arith.subi %add3A_101, %sub3A_102 : i32
      %ge3A_104 = arith.constant 0 : i32
      %ge3A_105 = arith.cmpi sge, %sub3A_103, %ge3A_104 : i32
      %convert_element_type3A_106 = arith.extui %ge3A_105 : i1 to i32
      %cond3A_107 = arith.constant 0 : i32
      %cond3A_108 = arith.cmpi ne, %convert_element_type3A_106, %cond3A_107 : i32
      scf.if %cond3A_108 {
        %sub3A_215 = arith.constant 1 : i32
        %sub3A_216 = arith.subi %add3A_101, %sub3A_215 : i32
        %dma_wait3A_217 = arith.constant 1 : i32
        %dma_wait3A_218 = arith.constant 0 : i32
        %dma_wait3A_219 = tpu.memref_slice %arg6[%dma_wait3A_217, %dma_wait3A_218] : memref<2x128xi32, #tpu.memory_space<vmem>> -> memref<1x128xi32, #tpu.memory_space<vmem>>
        %dma_wait3A_220 = tpu.memref_squeeze %dma_wait3A_219 : memref<1x128xi32, #tpu.memory_space<vmem>> -> memref<128xi32, #tpu.memory_space<vmem>>
        %dma_wait3A_221 = arith.constant 0 : i32
        %dma_wait3A_222 = arith.constant 0 : i32
        %dma_wait3A_223 = tpu.memref_slice %arg12[%dma_wait3A_221, %dma_wait3A_222] : memref<10112x128xf32, #tpu.memory_space<vmem_shared>> -> memref<10112x128xf32, #tpu.memory_space<vmem_shared>>
        tpu.wait_indirect_dma semaphore(%arg19 : memref<!tpu.dma_semaphore, #tpu.memory_space<semaphore_mem>>) src(%arg10 : memref<128x128xf32, #tpu.memory_space<vmem>>) dst(%dma_wait3A_223 : memref<10112x128xf32, #tpu.memory_space<vmem_shared>>)
      } else {
      }
      %add3A_109 = arith.constant 3 : i32
      %add3A_110 = arith.addi %add3A_101, %add3A_109 : i32
      %lt3A_111 = arith.constant 80 : i32
      %lt3A_112 = arith.cmpi slt, %add3A_110, %lt3A_111 : i32
      %convert_element_type3A_113 = arith.extui %lt3A_112 : i1 to i32
      %cond3A_114 = arith.constant 0 : i32
      %cond3A_115 = arith.cmpi ne, %convert_element_type3A_113, %cond3A_114 : i32
      scf.if %cond3A_115 {
        %add3A_215 = arith.constant 3 : i32
        %add3A_216 = arith.addi %add3A_101, %add3A_215 : i32
        %add3A_217 = arith.addi %mul3A_4, %add3A_216 : i32
        %dma_start3A_218 = arith.constant 0 : i32
        %dma_start3A_219 = arith.constant 0 : i32
        %dma_start3A_220 = tpu.memref_slice %arg3[%add3A_217, %dma_start3A_218, %dma_start3A_219] : memref<2560x2x128xi32, #tpu.memory_space<hbm>> -> memref<1x2x128xi32, #tpu.memory_space<hbm>>
        %dma_start3A_221 = tpu.memref_squeeze %dma_start3A_220 : memref<1x2x128xi32, #tpu.memory_space<hbm>> -> memref<2x128xi32, #tpu.memory_space<hbm>>
        %dma_start3A_222 = arith.constant 0 : i32
        %dma_start3A_223 = arith.constant 0 : i32
        %dma_start3A_224 = tpu.memref_slice %arg3[%add3A_217, %dma_start3A_222, %dma_start3A_223] : memref<2560x2x128xi32, #tpu.memory_space<hbm>> -> memref<1x2x128xi32, #tpu.memory_space<hbm>>
        %dma_start3A_225 = tpu.memref_squeeze %dma_start3A_224 : memref<1x2x128xi32, #tpu.memory_space<hbm>> -> memref<2x128xi32, #tpu.memory_space<hbm>>
        tpu.enqueue_dma source(%dma_start3A_225 : memref<2x128xi32, #tpu.memory_space<hbm>>) target(%arg6 : memref<2x128xi32, #tpu.memory_space<vmem>>) target_semaphore(%arg13 : memref<!tpu.dma_semaphore, #tpu.memory_space<semaphore_mem>>)
      } else {
      }
      %add3A_116 = arith.constant 1 : i32
      %add3A_117 = arith.addi %add3A_101, %add3A_116 : i32
      %lt3A_118 = arith.constant 80 : i32
      %lt3A_119 = arith.cmpi slt, %add3A_117, %lt3A_118 : i32
      %convert_element_type3A_120 = arith.extui %lt3A_119 : i1 to i32
      %cond3A_121 = arith.constant 0 : i32
      %cond3A_122 = arith.cmpi ne, %convert_element_type3A_120, %cond3A_121 : i32
      scf.if %cond3A_122 {
        %add3A_215 = arith.constant 1 : i32
        %add3A_216 = arith.addi %add3A_101, %add3A_215 : i32
        %add3A_217 = arith.addi %mul3A_4, %add3A_216 : i32
        %dma_wait3A_218 = arith.constant 0 : i32
        %dma_wait3A_219 = arith.constant 0 : i32
        %dma_wait3A_220 = tpu.memref_slice %arg3[%add3A_217, %dma_wait3A_218, %dma_wait3A_219] : memref<2560x2x128xi32, #tpu.memory_space<hbm>> -> memref<1x2x128xi32, #tpu.memory_space<hbm>>
        %dma_wait3A_221 = tpu.memref_squeeze %dma_wait3A_220 : memref<1x2x128xi32, #tpu.memory_space<hbm>> -> memref<2x128xi32, #tpu.memory_space<hbm>>
        %dma_wait3A_222 = arith.constant 0 : i32
        %dma_wait3A_223 = arith.constant 0 : i32
        %dma_wait3A_224 = tpu.memref_slice %arg3[%add3A_217, %dma_wait3A_222, %dma_wait3A_223] : memref<2560x2x128xi32, #tpu.memory_space<hbm>> -> memref<1x2x128xi32, #tpu.memory_space<hbm>>
        %dma_wait3A_225 = tpu.memref_squeeze %dma_wait3A_224 : memref<1x2x128xi32, #tpu.memory_space<hbm>> -> memref<2x128xi32, #tpu.memory_space<hbm>>
        tpu.wait_dma2 semaphore(%arg15 : memref<!tpu.dma_semaphore, #tpu.memory_space<semaphore_mem>>) src(%dma_wait3A_225 : memref<2x128xi32, #tpu.memory_space<hbm>>) dst(%arg8 : memref<2x128xi32, #tpu.memory_space<vmem>>)
        %dma_start3A_226 = arith.constant 0 : i32
        %dma_start3A_227 = arith.constant 0 : i32
        %dma_start3A_228 = tpu.memref_slice %arg8[%dma_start3A_226, %dma_start3A_227] : memref<2x128xi32, #tpu.memory_space<vmem>> -> memref<1x128xi32, #tpu.memory_space<vmem>>
        %dma_start3A_229 = tpu.memref_squeeze %dma_start3A_228 : memref<1x128xi32, #tpu.memory_space<vmem>> -> memref<128xi32, #tpu.memory_space<vmem>>
        %dma_start3A_230 = arith.constant 0 : i32
        %dma_start3A_231 = arith.constant 0 : i32
        %dma_start3A_232 = tpu.memref_slice %arg2[%dma_start3A_230, %dma_start3A_231] : memref<10000x128xf32, #tpu.memory_space<hbm>> -> memref<10000x128xf32, #tpu.memory_space<hbm>>
        tpu.enqueue_indirect_dma source(%dma_start3A_232 : memref<10000x128xf32, #tpu.memory_space<hbm>>) target(%arg10 : memref<128x128xf32, #tpu.memory_space<vmem>>) offsets(%dma_start3A_229 : memref<128xi32, #tpu.memory_space<vmem>>) semaphore(%arg17 : memref<!tpu.dma_semaphore, #tpu.memory_space<semaphore_mem>>)
      } else {
      }
      %dma_wait3A_123 = arith.constant 0 : i32
      %dma_wait3A_124 = arith.constant 0 : i32
      %dma_wait3A_125 = tpu.memref_slice %arg7[%dma_wait3A_123, %dma_wait3A_124] : memref<2x128xi32, #tpu.memory_space<vmem>> -> memref<1x128xi32, #tpu.memory_space<vmem>>
      %dma_wait3A_126 = tpu.memref_squeeze %dma_wait3A_125 : memref<1x128xi32, #tpu.memory_space<vmem>> -> memref<128xi32, #tpu.memory_space<vmem>>
      %dma_wait3A_127 = arith.constant 0 : i32
      %dma_wait3A_128 = arith.constant 0 : i32
      %dma_wait3A_129 = tpu.memref_slice %arg2[%dma_wait3A_127, %dma_wait3A_128] : memref<10000x128xf32, #tpu.memory_space<hbm>> -> memref<10000x128xf32, #tpu.memory_space<hbm>>
      tpu.wait_indirect_dma semaphore(%arg18 : memref<!tpu.dma_semaphore, #tpu.memory_space<semaphore_mem>>) src(%dma_wait3A_129 : memref<10000x128xf32, #tpu.memory_space<hbm>>) dst(%arg11 : memref<128x128xf32, #tpu.memory_space<vmem>>)
      %dma_start3A_130 = arith.constant 1 : i32
      %dma_start3A_131 = arith.constant 0 : i32
      %dma_start3A_132 = tpu.memref_slice %arg7[%dma_start3A_130, %dma_start3A_131] : memref<2x128xi32, #tpu.memory_space<vmem>> -> memref<1x128xi32, #tpu.memory_space<vmem>>
      %dma_start3A_133 = tpu.memref_squeeze %dma_start3A_132 : memref<1x128xi32, #tpu.memory_space<vmem>> -> memref<128xi32, #tpu.memory_space<vmem>>
      %dma_start3A_134 = arith.constant 0 : i32
      %dma_start3A_135 = arith.constant 0 : i32
      %dma_start3A_136 = tpu.memref_slice %arg12[%dma_start3A_134, %dma_start3A_135] : memref<10112x128xf32, #tpu.memory_space<vmem_shared>> -> memref<10112x128xf32, #tpu.memory_space<vmem_shared>>
      tpu.enqueue_indirect_dma source(%arg11 : memref<128x128xf32, #tpu.memory_space<vmem>>) target(%dma_start3A_136 : memref<10112x128xf32, #tpu.memory_space<vmem_shared>>) offsets(%dma_start3A_133 : memref<128xi32, #tpu.memory_space<vmem>>) semaphore(%arg20 : memref<!tpu.dma_semaphore, #tpu.memory_space<semaphore_mem>>) {add = true}
      %mul3A_137 = arith.constant 4 : i32
      %mul3A_138 = arith.muli %mul3A_137, %scan3A_63 : i32
      %add3A_139 = arith.constant 2 : i32
      %add3A_140 = arith.addi %mul3A_138, %add3A_139 : i32
      %sub3A_141 = arith.constant 1 : i32
      %sub3A_142 = arith.subi %add3A_140, %sub3A_141 : i32
      %ge3A_143 = arith.constant 0 : i32
      %ge3A_144 = arith.cmpi sge, %sub3A_142, %ge3A_143 : i32
      %convert_element_type3A_145 = arith.extui %ge3A_144 : i1 to i32
      %cond3A_146 = arith.constant 0 : i32
      %cond3A_147 = arith.cmpi ne, %convert_element_type3A_145, %cond3A_146 : i32
      scf.if %cond3A_147 {
        %sub3A_215 = arith.constant 1 : i32
        %sub3A_216 = arith.subi %add3A_140, %sub3A_215 : i32
        %dma_wait3A_217 = arith.constant 1 : i32
        %dma_wait3A_218 = arith.constant 0 : i32
        %dma_wait3A_219 = tpu.memref_slice %arg7[%dma_wait3A_217, %dma_wait3A_218] : memref<2x128xi32, #tpu.memory_space<vmem>> -> memref<1x128xi32, #tpu.memory_space<vmem>>
        %dma_wait3A_220 = tpu.memref_squeeze %dma_wait3A_219 : memref<1x128xi32, #tpu.memory_space<vmem>> -> memref<128xi32, #tpu.memory_space<vmem>>
        %dma_wait3A_221 = arith.constant 0 : i32
        %dma_wait3A_222 = arith.constant 0 : i32
        %dma_wait3A_223 = tpu.memref_slice %arg12[%dma_wait3A_221, %dma_wait3A_222] : memref<10112x128xf32, #tpu.memory_space<vmem_shared>> -> memref<10112x128xf32, #tpu.memory_space<vmem_shared>>
        tpu.wait_indirect_dma semaphore(%arg20 : memref<!tpu.dma_semaphore, #tpu.memory_space<semaphore_mem>>) src(%arg11 : memref<128x128xf32, #tpu.memory_space<vmem>>) dst(%dma_wait3A_223 : memref<10112x128xf32, #tpu.memory_space<vmem_shared>>)
      } else {
      }
      %add3A_148 = arith.constant 3 : i32
      %add3A_149 = arith.addi %add3A_140, %add3A_148 : i32
      %lt3A_150 = arith.constant 80 : i32
      %lt3A_151 = arith.cmpi slt, %add3A_149, %lt3A_150 : i32
      %convert_element_type3A_152 = arith.extui %lt3A_151 : i1 to i32
      %cond3A_153 = arith.constant 0 : i32
      %cond3A_154 = arith.cmpi ne, %convert_element_type3A_152, %cond3A_153 : i32
      scf.if %cond3A_154 {
        %add3A_215 = arith.constant 3 : i32
        %add3A_216 = arith.addi %add3A_140, %add3A_215 : i32
        %add3A_217 = arith.addi %mul3A_4, %add3A_216 : i32
        %dma_start3A_218 = arith.constant 0 : i32
        %dma_start3A_219 = arith.constant 0 : i32
        %dma_start3A_220 = tpu.memref_slice %arg3[%add3A_217, %dma_start3A_218, %dma_start3A_219] : memref<2560x2x128xi32, #tpu.memory_space<hbm>> -> memref<1x2x128xi32, #tpu.memory_space<hbm>>
        %dma_start3A_221 = tpu.memref_squeeze %dma_start3A_220 : memref<1x2x128xi32, #tpu.memory_space<hbm>> -> memref<2x128xi32, #tpu.memory_space<hbm>>
        %dma_start3A_222 = arith.constant 0 : i32
        %dma_start3A_223 = arith.constant 0 : i32
        %dma_start3A_224 = tpu.memref_slice %arg3[%add3A_217, %dma_start3A_222, %dma_start3A_223] : memref<2560x2x128xi32, #tpu.memory_space<hbm>> -> memref<1x2x128xi32, #tpu.memory_space<hbm>>
        %dma_start3A_225 = tpu.memref_squeeze %dma_start3A_224 : memref<1x2x128xi32, #tpu.memory_space<hbm>> -> memref<2x128xi32, #tpu.memory_space<hbm>>
        tpu.enqueue_dma source(%dma_start3A_225 : memref<2x128xi32, #tpu.memory_space<hbm>>) target(%arg7 : memref<2x128xi32, #tpu.memory_space<vmem>>) target_semaphore(%arg14 : memref<!tpu.dma_semaphore, #tpu.memory_space<semaphore_mem>>)
      } else {
      }
      %add3A_155 = arith.constant 1 : i32
      %add3A_156 = arith.addi %add3A_140, %add3A_155 : i32
      %lt3A_157 = arith.constant 80 : i32
      %lt3A_158 = arith.cmpi slt, %add3A_156, %lt3A_157 : i32
      %convert_element_type3A_159 = arith.extui %lt3A_158 : i1 to i32
      %cond3A_160 = arith.constant 0 : i32
      %cond3A_161 = arith.cmpi ne, %convert_element_type3A_159, %cond3A_160 : i32
      scf.if %cond3A_161 {
        %add3A_215 = arith.constant 1 : i32
        %add3A_216 = arith.addi %add3A_140, %add3A_215 : i32
        %add3A_217 = arith.addi %mul3A_4, %add3A_216 : i32
        %dma_wait3A_218 = arith.constant 0 : i32
        %dma_wait3A_219 = arith.constant 0 : i32
        %dma_wait3A_220 = tpu.memref_slice %arg3[%add3A_217, %dma_wait3A_218, %dma_wait3A_219] : memref<2560x2x128xi32, #tpu.memory_space<hbm>> -> memref<1x2x128xi32, #tpu.memory_space<hbm>>
        %dma_wait3A_221 = tpu.memref_squeeze %dma_wait3A_220 : memref<1x2x128xi32, #tpu.memory_space<hbm>> -> memref<2x128xi32, #tpu.memory_space<hbm>>
        %dma_wait3A_222 = arith.constant 0 : i32
        %dma_wait3A_223 = arith.constant 0 : i32
        %dma_wait3A_224 = tpu.memref_slice %arg3[%add3A_217, %dma_wait3A_222, %dma_wait3A_223] : memref<2560x2x128xi32, #tpu.memory_space<hbm>> -> memref<1x2x128xi32, #tpu.memory_space<hbm>>
        %dma_wait3A_225 = tpu.memref_squeeze %dma_wait3A_224 : memref<1x2x128xi32, #tpu.memory_space<hbm>> -> memref<2x128xi32, #tpu.memory_space<hbm>>
        tpu.wait_dma2 semaphore(%arg16 : memref<!tpu.dma_semaphore, #tpu.memory_space<semaphore_mem>>) src(%dma_wait3A_225 : memref<2x128xi32, #tpu.memory_space<hbm>>) dst(%arg9 : memref<2x128xi32, #tpu.memory_space<vmem>>)
        %dma_start3A_226 = arith.constant 0 : i32
        %dma_start3A_227 = arith.constant 0 : i32
        %dma_start3A_228 = tpu.memref_slice %arg9[%dma_start3A_226, %dma_start3A_227] : memref<2x128xi32, #tpu.memory_space<vmem>> -> memref<1x128xi32, #tpu.memory_space<vmem>>
        %dma_start3A_229 = tpu.memref_squeeze %dma_start3A_228 : memref<1x128xi32, #tpu.memory_space<vmem>> -> memref<128xi32, #tpu.memory_space<vmem>>
        %dma_start3A_230 = arith.constant 0 : i32
        %dma_start3A_231 = arith.constant 0 : i32
        %dma_start3A_232 = tpu.memref_slice %arg2[%dma_start3A_230, %dma_start3A_231] : memref<10000x128xf32, #tpu.memory_space<hbm>> -> memref<10000x128xf32, #tpu.memory_space<hbm>>
        tpu.enqueue_indirect_dma source(%dma_start3A_232 : memref<10000x128xf32, #tpu.memory_space<hbm>>) target(%arg11 : memref<128x128xf32, #tpu.memory_space<vmem>>) offsets(%dma_start3A_229 : memref<128xi32, #tpu.memory_space<vmem>>) semaphore(%arg18 : memref<!tpu.dma_semaphore, #tpu.memory_space<semaphore_mem>>)
      } else {
      }
      %dma_wait3A_162 = arith.constant 0 : i32
      %dma_wait3A_163 = arith.constant 0 : i32
      %dma_wait3A_164 = tpu.memref_slice %arg8[%dma_wait3A_162, %dma_wait3A_163] : memref<2x128xi32, #tpu.memory_space<vmem>> -> memref<1x128xi32, #tpu.memory_space<vmem>>
      %dma_wait3A_165 = tpu.memref_squeeze %dma_wait3A_164 : memref<1x128xi32, #tpu.memory_space<vmem>> -> memref<128xi32, #tpu.memory_space<vmem>>
      %dma_wait3A_166 = arith.constant 0 : i32
      %dma_wait3A_167 = arith.constant 0 : i32
      %dma_wait3A_168 = tpu.memref_slice %arg2[%dma_wait3A_166, %dma_wait3A_167] : memref<10000x128xf32, #tpu.memory_space<hbm>> -> memref<10000x128xf32, #tpu.memory_space<hbm>>
      tpu.wait_indirect_dma semaphore(%arg17 : memref<!tpu.dma_semaphore, #tpu.memory_space<semaphore_mem>>) src(%dma_wait3A_168 : memref<10000x128xf32, #tpu.memory_space<hbm>>) dst(%arg10 : memref<128x128xf32, #tpu.memory_space<vmem>>)
      %dma_start3A_169 = arith.constant 1 : i32
      %dma_start3A_170 = arith.constant 0 : i32
      %dma_start3A_171 = tpu.memref_slice %arg8[%dma_start3A_169, %dma_start3A_170] : memref<2x128xi32, #tpu.memory_space<vmem>> -> memref<1x128xi32, #tpu.memory_space<vmem>>
      %dma_start3A_172 = tpu.memref_squeeze %dma_start3A_171 : memref<1x128xi32, #tpu.memory_space<vmem>> -> memref<128xi32, #tpu.memory_space<vmem>>
      %dma_start3A_173 = arith.constant 0 : i32
      %dma_start3A_174 = arith.constant 0 : i32
      %dma_start3A_175 = tpu.memref_slice %arg12[%dma_start3A_173, %dma_start3A_174] : memref<10112x128xf32, #tpu.memory_space<vmem_shared>> -> memref<10112x128xf32, #tpu.memory_space<vmem_shared>>
      tpu.enqueue_indirect_dma source(%arg10 : memref<128x128xf32, #tpu.memory_space<vmem>>) target(%dma_start3A_175 : memref<10112x128xf32, #tpu.memory_space<vmem_shared>>) offsets(%dma_start3A_172 : memref<128xi32, #tpu.memory_space<vmem>>) semaphore(%arg19 : memref<!tpu.dma_semaphore, #tpu.memory_space<semaphore_mem>>) {add = true}
      %mul3A_176 = arith.constant 4 : i32
      %mul3A_177 = arith.muli %mul3A_176, %scan3A_63 : i32
      %add3A_178 = arith.constant 3 : i32
      %add3A_179 = arith.addi %mul3A_177, %add3A_178 : i32
      %sub3A_180 = arith.constant 1 : i32
      %sub3A_181 = arith.subi %add3A_179, %sub3A_180 : i32
      %ge3A_182 = arith.constant 0 : i32
      %ge3A_183 = arith.cmpi sge, %sub3A_181, %ge3A_182 : i32
      %convert_element_type3A_184 = arith.extui %ge3A_183 : i1 to i32
      %cond3A_185 = arith.constant 0 : i32
      %cond3A_186 = arith.cmpi ne, %convert_element_type3A_184, %cond3A_185 : i32
      scf.if %cond3A_186 {
        %sub3A_215 = arith.constant 1 : i32
        %sub3A_216 = arith.subi %add3A_179, %sub3A_215 : i32
        %dma_wait3A_217 = arith.constant 1 : i32
        %dma_wait3A_218 = arith.constant 0 : i32
        %dma_wait3A_219 = tpu.memref_slice %arg8[%dma_wait3A_217, %dma_wait3A_218] : memref<2x128xi32, #tpu.memory_space<vmem>> -> memref<1x128xi32, #tpu.memory_space<vmem>>
        %dma_wait3A_220 = tpu.memref_squeeze %dma_wait3A_219 : memref<1x128xi32, #tpu.memory_space<vmem>> -> memref<128xi32, #tpu.memory_space<vmem>>
        %dma_wait3A_221 = arith.constant 0 : i32
        %dma_wait3A_222 = arith.constant 0 : i32
        %dma_wait3A_223 = tpu.memref_slice %arg12[%dma_wait3A_221, %dma_wait3A_222] : memref<10112x128xf32, #tpu.memory_space<vmem_shared>> -> memref<10112x128xf32, #tpu.memory_space<vmem_shared>>
        tpu.wait_indirect_dma semaphore(%arg19 : memref<!tpu.dma_semaphore, #tpu.memory_space<semaphore_mem>>) src(%arg10 : memref<128x128xf32, #tpu.memory_space<vmem>>) dst(%dma_wait3A_223 : memref<10112x128xf32, #tpu.memory_space<vmem_shared>>)
      } else {
      }
      %add3A_187 = arith.constant 3 : i32
      %add3A_188 = arith.addi %add3A_179, %add3A_187 : i32
      %lt3A_189 = arith.constant 80 : i32
      %lt3A_190 = arith.cmpi slt, %add3A_188, %lt3A_189 : i32
      %convert_element_type3A_191 = arith.extui %lt3A_190 : i1 to i32
      %cond3A_192 = arith.constant 0 : i32
      %cond3A_193 = arith.cmpi ne, %convert_element_type3A_191, %cond3A_192 : i32
      scf.if %cond3A_193 {
        %add3A_215 = arith.constant 3 : i32
        %add3A_216 = arith.addi %add3A_179, %add3A_215 : i32
        %add3A_217 = arith.addi %mul3A_4, %add3A_216 : i32
        %dma_start3A_218 = arith.constant 0 : i32
        %dma_start3A_219 = arith.constant 0 : i32
        %dma_start3A_220 = tpu.memref_slice %arg3[%add3A_217, %dma_start3A_218, %dma_start3A_219] : memref<2560x2x128xi32, #tpu.memory_space<hbm>> -> memref<1x2x128xi32, #tpu.memory_space<hbm>>
        %dma_start3A_221 = tpu.memref_squeeze %dma_start3A_220 : memref<1x2x128xi32, #tpu.memory_space<hbm>> -> memref<2x128xi32, #tpu.memory_space<hbm>>
        %dma_start3A_222 = arith.constant 0 : i32
        %dma_start3A_223 = arith.constant 0 : i32
        %dma_start3A_224 = tpu.memref_slice %arg3[%add3A_217, %dma_start3A_222, %dma_start3A_223] : memref<2560x2x128xi32, #tpu.memory_space<hbm>> -> memref<1x2x128xi32, #tpu.memory_space<hbm>>
        %dma_start3A_225 = tpu.memref_squeeze %dma_start3A_224 : memref<1x2x128xi32, #tpu.memory_space<hbm>> -> memref<2x128xi32, #tpu.memory_space<hbm>>
        tpu.enqueue_dma source(%dma_start3A_225 : memref<2x128xi32, #tpu.memory_space<hbm>>) target(%arg8 : memref<2x128xi32, #tpu.memory_space<vmem>>) target_semaphore(%arg15 : memref<!tpu.dma_semaphore, #tpu.memory_space<semaphore_mem>>)
      } else {
      }
      %add3A_194 = arith.constant 1 : i32
      %add3A_195 = arith.addi %add3A_179, %add3A_194 : i32
      %lt3A_196 = arith.constant 80 : i32
      %lt3A_197 = arith.cmpi slt, %add3A_195, %lt3A_196 : i32
      %convert_element_type3A_198 = arith.extui %lt3A_197 : i1 to i32
      %cond3A_199 = arith.constant 0 : i32
      %cond3A_200 = arith.cmpi ne, %convert_element_type3A_198, %cond3A_199 : i32
      scf.if %cond3A_200 {
        %add3A_215 = arith.constant 1 : i32
        %add3A_216 = arith.addi %add3A_179, %add3A_215 : i32
        %add3A_217 = arith.addi %mul3A_4, %add3A_216 : i32
        %dma_wait3A_218 = arith.constant 0 : i32
        %dma_wait3A_219 = arith.constant 0 : i32
        %dma_wait3A_220 = tpu.memref_slice %arg3[%add3A_217, %dma_wait3A_218, %dma_wait3A_219] : memref<2560x2x128xi32, #tpu.memory_space<hbm>> -> memref<1x2x128xi32, #tpu.memory_space<hbm>>
        %dma_wait3A_221 = tpu.memref_squeeze %dma_wait3A_220 : memref<1x2x128xi32, #tpu.memory_space<hbm>> -> memref<2x128xi32, #tpu.memory_space<hbm>>
        %dma_wait3A_222 = arith.constant 0 : i32
        %dma_wait3A_223 = arith.constant 0 : i32
        %dma_wait3A_224 = tpu.memref_slice %arg3[%add3A_217, %dma_wait3A_222, %dma_wait3A_223] : memref<2560x2x128xi32, #tpu.memory_space<hbm>> -> memref<1x2x128xi32, #tpu.memory_space<hbm>>
        %dma_wait3A_225 = tpu.memref_squeeze %dma_wait3A_224 : memref<1x2x128xi32, #tpu.memory_space<hbm>> -> memref<2x128xi32, #tpu.memory_space<hbm>>
        tpu.wait_dma2 semaphore(%arg13 : memref<!tpu.dma_semaphore, #tpu.memory_space<semaphore_mem>>) src(%dma_wait3A_225 : memref<2x128xi32, #tpu.memory_space<hbm>>) dst(%arg6 : memref<2x128xi32, #tpu.memory_space<vmem>>)
        %dma_start3A_226 = arith.constant 0 : i32
        %dma_start3A_227 = arith.constant 0 : i32
        %dma_start3A_228 = tpu.memref_slice %arg6[%dma_start3A_226, %dma_start3A_227] : memref<2x128xi32, #tpu.memory_space<vmem>> -> memref<1x128xi32, #tpu.memory_space<vmem>>
        %dma_start3A_229 = tpu.memref_squeeze %dma_start3A_228 : memref<1x128xi32, #tpu.memory_space<vmem>> -> memref<128xi32, #tpu.memory_space<vmem>>
        %dma_start3A_230 = arith.constant 0 : i32
        %dma_start3A_231 = arith.constant 0 : i32
        %dma_start3A_232 = tpu.memref_slice %arg2[%dma_start3A_230, %dma_start3A_231] : memref<10000x128xf32, #tpu.memory_space<hbm>> -> memref<10000x128xf32, #tpu.memory_space<hbm>>
        tpu.enqueue_indirect_dma source(%dma_start3A_232 : memref<10000x128xf32, #tpu.memory_space<hbm>>) target(%arg10 : memref<128x128xf32, #tpu.memory_space<vmem>>) offsets(%dma_start3A_229 : memref<128xi32, #tpu.memory_space<vmem>>) semaphore(%arg17 : memref<!tpu.dma_semaphore, #tpu.memory_space<semaphore_mem>>)
      } else {
      }
      %dma_wait3A_201 = arith.constant 0 : i32
      %dma_wait3A_202 = arith.constant 0 : i32
      %dma_wait3A_203 = tpu.memref_slice %arg9[%dma_wait3A_201, %dma_wait3A_202] : memref<2x128xi32, #tpu.memory_space<vmem>> -> memref<1x128xi32, #tpu.memory_space<vmem>>
      %dma_wait3A_204 = tpu.memref_squeeze %dma_wait3A_203 : memref<1x128xi32, #tpu.memory_space<vmem>> -> memref<128xi32, #tpu.memory_space<vmem>>
      %dma_wait3A_205 = arith.constant 0 : i32
      %dma_wait3A_206 = arith.constant 0 : i32
      %dma_wait3A_207 = tpu.memref_slice %arg2[%dma_wait3A_205, %dma_wait3A_206] : memref<10000x128xf32, #tpu.memory_space<hbm>> -> memref<10000x128xf32, #tpu.memory_space<hbm>>
      tpu.wait_indirect_dma semaphore(%arg18 : memref<!tpu.dma_semaphore, #tpu.memory_space<semaphore_mem>>) src(%dma_wait3A_207 : memref<10000x128xf32, #tpu.memory_space<hbm>>) dst(%arg11 : memref<128x128xf32, #tpu.memory_space<vmem>>)
      %dma_start3A_208 = arith.constant 1 : i32
      %dma_start3A_209 = arith.constant 0 : i32
      %dma_start3A_210 = tpu.memref_slice %arg9[%dma_start3A_208, %dma_start3A_209] : memref<2x128xi32, #tpu.memory_space<vmem>> -> memref<1x128xi32, #tpu.memory_space<vmem>>
      %dma_start3A_211 = tpu.memref_squeeze %dma_start3A_210 : memref<1x128xi32, #tpu.memory_space<vmem>> -> memref<128xi32, #tpu.memory_space<vmem>>
      %dma_start3A_212 = arith.constant 0 : i32
      %dma_start3A_213 = arith.constant 0 : i32
      %dma_start3A_214 = tpu.memref_slice %arg12[%dma_start3A_212, %dma_start3A_213] : memref<10112x128xf32, #tpu.memory_space<vmem_shared>> -> memref<10112x128xf32, #tpu.memory_space<vmem_shared>>
      tpu.enqueue_indirect_dma source(%arg11 : memref<128x128xf32, #tpu.memory_space<vmem>>) target(%dma_start3A_214 : memref<10112x128xf32, #tpu.memory_space<vmem_shared>>) offsets(%dma_start3A_211 : memref<128xi32, #tpu.memory_space<vmem>>) semaphore(%arg20 : memref<!tpu.dma_semaphore, #tpu.memory_space<semaphore_mem>>) {add = true}
    }
    %scan3A_54 = arith.constant 20 : i32
    %dma_wait3A_55 = arith.constant 1 : i32
    %dma_wait3A_56 = arith.constant 0 : i32
    %dma_wait3A_57 = tpu.memref_slice %arg9[%dma_wait3A_55, %dma_wait3A_56] : memref<2x128xi32, #tpu.memory_space<vmem>> -> memref<1x128xi32, #tpu.memory_space<vmem>>
    %dma_wait3A_58 = tpu.memref_squeeze %dma_wait3A_57 : memref<1x128xi32, #tpu.memory_space<vmem>> -> memref<128xi32, #tpu.memory_space<vmem>>
    %dma_wait3A_59 = arith.constant 0 : i32
    %dma_wait3A_60 = arith.constant 0 : i32
    %dma_wait3A_61 = tpu.memref_slice %arg12[%dma_wait3A_59, %dma_wait3A_60] : memref<10112x128xf32, #tpu.memory_space<vmem_shared>> -> memref<10112x128xf32, #tpu.memory_space<vmem_shared>>
    tpu.wait_indirect_dma semaphore(%arg20 : memref<!tpu.dma_semaphore, #tpu.memory_space<semaphore_mem>>) src(%arg11 : memref<128x128xf32, #tpu.memory_space<vmem>>) dst(%dma_wait3A_61 : memref<10112x128xf32, #tpu.memory_space<vmem_shared>>)
    %barrier3A_62 = arith.constant 0 : index
    tpu.barrier barrier_id(%barrier3A_62)
    "tpu.region"() ({
      %run_scoped3A = tpu.sem_alloc : memref<!tpu.dma_semaphore, #tpu.memory_space<semaphore_mem>>
      %dma_start3A_63 = arith.constant 0 : i32
      %dma_start3A_64 = tpu.memref_slice %arg5[%arg0, %mul3A_2, %dma_start3A_63] : memref<2x10112x128xf32, #tpu.memory_space<hbm>> -> memref<1x632x128xf32, #tpu.memory_space<hbm>>
      %dma_start3A_65 = tpu.memref_squeeze %dma_start3A_64 : memref<1x632x128xf32, #tpu.memory_space<hbm>> -> memref<632x128xf32, #tpu.memory_space<hbm>>
      %dma_start3A_66 = arith.constant 0 : i32
      %dma_start3A_67 = tpu.memref_slice %arg12[%mul3A_2, %dma_start3A_66] : memref<10112x128xf32, #tpu.memory_space<vmem_shared>> -> memref<632x128xf32, #tpu.memory_space<vmem_shared>>
      tpu.enqueue_dma source(%dma_start3A_67 : memref<632x128xf32, #tpu.memory_space<vmem_shared>>) target(%dma_start3A_65 : memref<632x128xf32, #tpu.memory_space<hbm>>) target_semaphore(%run_scoped3A : memref<!tpu.dma_semaphore, #tpu.memory_space<semaphore_mem>>)
      %dma_wait3A_68 = arith.constant 0 : i32
      %dma_wait3A_69 = tpu.memref_slice %arg5[%arg0, %mul3A_2, %dma_wait3A_68] : memref<2x10112x128xf32, #tpu.memory_space<hbm>> -> memref<1x632x128xf32, #tpu.memory_space<hbm>>
      %dma_wait3A_70 = tpu.memref_squeeze %dma_wait3A_69 : memref<1x632x128xf32, #tpu.memory_space<hbm>> -> memref<632x128xf32, #tpu.memory_space<hbm>>
      %dma_wait3A_71 = arith.constant 0 : i32
      %dma_wait3A_72 = tpu.memref_slice %arg12[%mul3A_2, %dma_wait3A_71] : memref<10112x128xf32, #tpu.memory_space<vmem_shared>> -> memref<632x128xf32, #tpu.memory_space<vmem_shared>>
      tpu.wait_dma2 semaphore(%run_scoped3A : memref<!tpu.dma_semaphore, #tpu.memory_space<semaphore_mem>>) src(%dma_wait3A_72 : memref<632x128xf32, #tpu.memory_space<vmem_shared>>) dst(%dma_wait3A_70 : memref<632x128xf32, #tpu.memory_space<hbm>>)
      tpu.yield
    }) : () -> ()
    return
  }
}

module attributes {stable_mosaic.version = 14 : i64} {
  func.func @_tc1_body(%arg0: i32, %arg1: memref<2x1000x128xf32, #tpu.memory_space<vmem>>, %arg2: memref<2x1000x16xf32, #tpu.memory_space<vmem>>, %arg3: memref<1000x128xf32, #tpu.memory_space<vmem>>, %arg4: memref<128x128xf32, #tpu.memory_space<vmem>>, %arg5: memref<128x128xf32, #tpu.memory_space<vmem>>, %arg6: memref<1x128xf32, #tpu.memory_space<vmem>>, %arg7: memref<1000x128xf32, #tpu.memory_space<vmem>>, %arg8: memref<1000x1xf32, #tpu.memory_space<vmem>>) attributes {dimension_semantics = [#tpu.dimension_semantics<arbitrary>], iteration_bounds = array<i64: 10>, scalar_prefetch = 0 : i64, scratch_operands = 0 : i64, tpu.core_type = #tpu.core_type<tc>, window_params = [{transform_indices = @transform_0, window_bounds = array<i64: 2, 1000, 128>}, {transform_indices = @transform_1, window_bounds = array<i64: 2, 1000, 16>}, {transform_indices = @transform_2, window_bounds = array<i64: 1000, 128>}, {pipeline_mode = #tpu.pipeline_mode<synchronous>, transform_indices = @transform_3, window_bounds = array<i64: 128, 128>}, {pipeline_mode = #tpu.pipeline_mode<synchronous>, transform_indices = @transform_4, window_bounds = array<i64: 128, 128>}, {pipeline_mode = #tpu.pipeline_mode<synchronous>, transform_indices = @transform_5, window_bounds = array<i64: 1, 128>}, {transform_indices = @transform_6, window_bounds = array<i64: 1000, 128>}, {transform_indices = @transform_7, window_bounds = array<i64: 1000, 1>}]} {
    %get3A = arith.constant 0 : index
    %get3A_0 = arith.constant 0 : index
    %get3A_1 = arith.constant 0 : index
    %get3A_2 = vector.load %arg1[%get3A, %get3A_0, %get3A_1] : memref<2x1000x128xf32, #tpu.memory_space<vmem>>, vector<1x1000x128xf32>
    %get3A_3 = vector.shape_cast %get3A_2 : vector<1x1000x128xf32> to vector<1000x128xf32>
    %get3A_4 = arith.constant 1 : index
    %get3A_5 = arith.constant 0 : index
    %get3A_6 = arith.constant 0 : index
    %get3A_7 = vector.load %arg1[%get3A_4, %get3A_5, %get3A_6] : memref<2x1000x128xf32, #tpu.memory_space<vmem>>, vector<1x1000x128xf32>
    %get3A_8 = vector.shape_cast %get3A_7 : vector<1x1000x128xf32> to vector<1000x128xf32>
    %add3A = arith.addf %get3A_3, %get3A_8 : vector<1000x128xf32>
    %get3A_9 = arith.constant 0 : index
    %get3A_10 = arith.constant 0 : index
    %get3A_11 = arith.constant 0 : index
    %get3A_12 = vector.load %arg2[%get3A_9, %get3A_10, %get3A_11] : memref<2x1000x16xf32, #tpu.memory_space<vmem>>, vector<1x1000x1xf32>
    %get3A_13 = vector.shape_cast %get3A_12 : vector<1x1000x1xf32> to vector<1000x1xf32>
    %get3A_14 = arith.constant 1 : index
    %get3A_15 = arith.constant 0 : index
    %get3A_16 = arith.constant 0 : index
    %get3A_17 = vector.load %arg2[%get3A_14, %get3A_15, %get3A_16] : memref<2x1000x16xf32, #tpu.memory_space<vmem>>, vector<1x1000x1xf32>
    %get3A_18 = vector.shape_cast %get3A_17 : vector<1x1000x1xf32> to vector<1000x1xf32>
    %add3A_19 = arith.addf %get3A_13, %get3A_18 : vector<1000x1xf32>
    %max3A = arith.constant 1.000000e+00 : f32
    %max3A_20 = vector.broadcast %max3A : f32 to vector<1000x1xf32>
    %max3A_21 = arith.maximumf %add3A_19, %max3A_20 : vector<1000x1xf32>
    %div3A = arith.constant 1.000000e+00 : f32
    %div3A_22 = vector.broadcast %div3A : f32 to vector<1000x1xf32>
    %div3A_23 = arith.divf %div3A_22, %max3A_21 : vector<1000x1xf32>
    %get3A_24 = arith.constant 0 : index
    %get3A_25 = arith.constant 0 : index
    %get3A_26 = vector.load %arg4[%get3A_24, %get3A_25] : memref<128x128xf32, #tpu.memory_space<vmem>>, vector<128x128xf32>
    %dot_general3A = arith.constant dense<0.000000e+00> : vector<1000x128xf32>
    %dot_general3A_27 = tpu.matmul %add3A, %get3A_26, %dot_general3A {dimension_numbers = #tpu.dot_dimension_numbers<[1], [0], [0], [1], [0, 0, 1, 1], [], []>, transpose_lhs_hint = false} : vector<1000x128xf32>, vector<128x128xf32>, vector<1000x128xf32> -> vector<1000x128xf32>
    %get3A_28 = arith.constant 0 : index
    %get3A_29 = arith.constant 0 : index
    %get3A_30 = vector.load %arg3[%get3A_28, %get3A_29] : memref<1000x128xf32, #tpu.memory_space<vmem>>, vector<1000x128xf32>
    %get3A_31 = arith.constant 0 : index
    %get3A_32 = arith.constant 0 : index
    %get3A_33 = vector.load %arg5[%get3A_31, %get3A_32] : memref<128x128xf32, #tpu.memory_space<vmem>>, vector<128x128xf32>
    %dot_general3A_34 = arith.constant dense<0.000000e+00> : vector<1000x128xf32>
    %dot_general3A_35 = tpu.matmul %get3A_30, %get3A_33, %dot_general3A_34 {dimension_numbers = #tpu.dot_dimension_numbers<[1], [0], [0], [1], [0, 0, 1, 1], [], []>, transpose_lhs_hint = false} : vector<1000x128xf32>, vector<128x128xf32>, vector<1000x128xf32> -> vector<1000x128xf32>
    %mul3A = vector.broadcast %div3A_23 : vector<1000x1xf32> to vector<1000x128xf32>
    %mul3A_36 = arith.mulf %dot_general3A_27, %mul3A : vector<1000x128xf32>
    %add3A_37 = arith.addf %mul3A_36, %dot_general3A_35 : vector<1000x128xf32>
    %get3A_38 = arith.constant 0 : index
    %get3A_39 = arith.constant 0 : index
    %get3A_40 = vector.load %arg6[%get3A_38, %get3A_39] : memref<1x128xf32, #tpu.memory_space<vmem>>, vector<1x128xf32>
    %add3A_41 = vector.broadcast %get3A_40 : vector<1x128xf32> to vector<1000x128xf32>
    %add3A_42 = arith.addf %add3A_37, %add3A_41 : vector<1000x128xf32>
    %max3A_43 = arith.constant 0.000000e+00 : f32
    %max3A_44 = vector.broadcast %max3A_43 : f32 to vector<1000x128xf32>
    %max3A_45 = arith.maximumf %add3A_42, %max3A_44 : vector<1000x128xf32>
    %swap3A = arith.constant 0 : index
    %swap3A_46 = arith.constant 0 : index
    %swap3A_47 = vector.load %arg7[%swap3A, %swap3A_46] : memref<1000x128xf32, #tpu.memory_space<vmem>>, vector<1000x128xf32>
    tpu.vector_store %arg7[%swap3A, %swap3A_46], %max3A_45 {strides = array<i32>} : memref<1000x128xf32, #tpu.memory_space<vmem>>, vector<1000x128xf32>,
    %swap3A_48 = arith.constant 0 : index
    %swap3A_49 = arith.constant 0 : index
    %swap3A_50 = vector.load %arg8[%swap3A_48, %swap3A_49] : memref<1000x1xf32, #tpu.memory_space<vmem>>, vector<1000x1xf32>
    tpu.vector_store %arg8[%swap3A_48, %swap3A_49], %div3A_23 {strides = array<i32>} : memref<1000x1xf32, #tpu.memory_space<vmem>>, vector<1000x1xf32>,
    return
  }
  func.func @transform_0(%arg0: i32) -> (i32, i32, i32) {
    %c0_i32 = arith.constant 0 : i32
    %c0_i32_0 = arith.constant 0 : i32
    %c0_i32_1 = arith.constant 0 : i32
    return %c0_i32, %arg0, %c0_i32_0 : i32, i32, i32
  }
  func.func @transform_1(%arg0: i32) -> (i32, i32, i32) {
    %c0_i32 = arith.constant 0 : i32
    %c0_i32_0 = arith.constant 0 : i32
    %c0_i32_1 = arith.constant 0 : i32
    return %c0_i32, %arg0, %c0_i32_0 : i32, i32, i32
  }
  func.func @transform_2(%arg0: i32) -> (i32, i32) {
    %c0_i32 = arith.constant 0 : i32
    %c0_i32_0 = arith.constant 0 : i32
    return %arg0, %c0_i32 : i32, i32
  }
  func.func @transform_3(%arg0: i32) -> (i32, i32) {
    %c0_i32 = arith.constant 0 : i32
    %c0_i32_0 = arith.constant 0 : i32
    %c0_i32_1 = arith.constant 0 : i32
    return %c0_i32, %c0_i32_0 : i32, i32
  }
  func.func @transform_4(%arg0: i32) -> (i32, i32) {
    %c0_i32 = arith.constant 0 : i32
    %c0_i32_0 = arith.constant 0 : i32
    %c0_i32_1 = arith.constant 0 : i32
    return %c0_i32, %c0_i32_0 : i32, i32
  }
  func.func @transform_5(%arg0: i32) -> (i32, i32) {
    %c0_i32 = arith.constant 0 : i32
    %c0_i32_0 = arith.constant 0 : i32
    %c0_i32_1 = arith.constant 0 : i32
    return %c0_i32, %c0_i32_0 : i32, i32
  }
  func.func @transform_6(%arg0: i32) -> (i32, i32) {
    %c0_i32 = arith.constant 0 : i32
    %c0_i32_0 = arith.constant 0 : i32
    return %arg0, %c0_i32 : i32, i32
  }
  func.func @transform_7(%arg0: i32) -> (i32, i32) {
    %c0_i32 = arith.constant 0 : i32
    %c0_i32_0 = arith.constant 0 : i32
    return %arg0, %c0_i32 : i32, i32
  }
}

module attributes {stable_mosaic.version = 14 : i64} {
  func.func @_tc2_body(%arg0: i32, %arg1: memref<2x1000x128xf32, #tpu.memory_space<vmem>>, %arg2: memref<1000x128xf32, #tpu.memory_space<vmem>>, %arg3: memref<1000x1xf32, #tpu.memory_space<vmem>>, %arg4: memref<128x128xf32, #tpu.memory_space<vmem>>, %arg5: memref<128x128xf32, #tpu.memory_space<vmem>>, %arg6: memref<1x128xf32, #tpu.memory_space<vmem>>, %arg7: memref<1000x128xf32, #tpu.memory_space<vmem>>) attributes {dimension_semantics = [#tpu.dimension_semantics<arbitrary>], iteration_bounds = array<i64: 10>, scalar_prefetch = 0 : i64, scratch_operands = 0 : i64, tpu.core_type = #tpu.core_type<tc>, window_params = [{transform_indices = @transform_0, window_bounds = array<i64: 2, 1000, 128>}, {transform_indices = @transform_1, window_bounds = array<i64: 1000, 128>}, {transform_indices = @transform_2, window_bounds = array<i64: 1000, 1>}, {pipeline_mode = #tpu.pipeline_mode<synchronous>, transform_indices = @transform_3, window_bounds = array<i64: 128, 128>}, {pipeline_mode = #tpu.pipeline_mode<synchronous>, transform_indices = @transform_4, window_bounds = array<i64: 128, 128>}, {pipeline_mode = #tpu.pipeline_mode<synchronous>, transform_indices = @transform_5, window_bounds = array<i64: 1, 128>}, {transform_indices = @transform_6, window_bounds = array<i64: 1000, 128>}]} {
    %get3A = arith.constant 0 : index
    %get3A_0 = arith.constant 0 : index
    %get3A_1 = arith.constant 0 : index
    %get3A_2 = vector.load %arg1[%get3A, %get3A_0, %get3A_1] : memref<2x1000x128xf32, #tpu.memory_space<vmem>>, vector<1x1000x128xf32>
    %get3A_3 = vector.shape_cast %get3A_2 : vector<1x1000x128xf32> to vector<1000x128xf32>
    %get3A_4 = arith.constant 1 : index
    %get3A_5 = arith.constant 0 : index
    %get3A_6 = arith.constant 0 : index
    %get3A_7 = vector.load %arg1[%get3A_4, %get3A_5, %get3A_6] : memref<2x1000x128xf32, #tpu.memory_space<vmem>>, vector<1x1000x128xf32>
    %get3A_8 = vector.shape_cast %get3A_7 : vector<1x1000x128xf32> to vector<1000x128xf32>
    %add3A = arith.addf %get3A_3, %get3A_8 : vector<1000x128xf32>
    %get3A_9 = arith.constant 0 : index
    %get3A_10 = arith.constant 0 : index
    %get3A_11 = vector.load %arg4[%get3A_9, %get3A_10] : memref<128x128xf32, #tpu.memory_space<vmem>>, vector<128x128xf32>
    %dot_general3A = arith.constant dense<0.000000e+00> : vector<1000x128xf32>
    %dot_general3A_12 = tpu.matmul %add3A, %get3A_11, %dot_general3A {dimension_numbers = #tpu.dot_dimension_numbers<[1], [0], [0], [1], [0, 0, 1, 1], [], []>, transpose_lhs_hint = false} : vector<1000x128xf32>, vector<128x128xf32>, vector<1000x128xf32> -> vector<1000x128xf32>
    %get3A_13 = arith.constant 0 : index
    %get3A_14 = arith.constant 0 : index
    %get3A_15 = vector.load %arg2[%get3A_13, %get3A_14] : memref<1000x128xf32, #tpu.memory_space<vmem>>, vector<1000x128xf32>
    %get3A_16 = arith.constant 0 : index
    %get3A_17 = arith.constant 0 : index
    %get3A_18 = vector.load %arg5[%get3A_16, %get3A_17] : memref<128x128xf32, #tpu.memory_space<vmem>>, vector<128x128xf32>
    %dot_general3A_19 = arith.constant dense<0.000000e+00> : vector<1000x128xf32>
    %dot_general3A_20 = tpu.matmul %get3A_15, %get3A_18, %dot_general3A_19 {dimension_numbers = #tpu.dot_dimension_numbers<[1], [0], [0], [1], [0, 0, 1, 1], [], []>, transpose_lhs_hint = false} : vector<1000x128xf32>, vector<128x128xf32>, vector<1000x128xf32> -> vector<1000x128xf32>
    %get3A_21 = arith.constant 0 : index
    %get3A_22 = arith.constant 0 : index
    %get3A_23 = vector.load %arg3[%get3A_21, %get3A_22] : memref<1000x1xf32, #tpu.memory_space<vmem>>, vector<1000x1xf32>
    %mul3A = vector.broadcast %get3A_23 : vector<1000x1xf32> to vector<1000x128xf32>
    %mul3A_24 = arith.mulf %dot_general3A_12, %mul3A : vector<1000x128xf32>
    %add3A_25 = arith.addf %mul3A_24, %dot_general3A_20 : vector<1000x128xf32>
    %get3A_26 = arith.constant 0 : index
    %get3A_27 = arith.constant 0 : index
    %get3A_28 = vector.load %arg6[%get3A_26, %get3A_27] : memref<1x128xf32, #tpu.memory_space<vmem>>, vector<1x128xf32>
    %add3A_29 = vector.broadcast %get3A_28 : vector<1x128xf32> to vector<1000x128xf32>
    %add3A_30 = arith.addf %add3A_25, %add3A_29 : vector<1000x128xf32>
    %swap3A = arith.constant 0 : index
    %swap3A_31 = arith.constant 0 : index
    %swap3A_32 = vector.load %arg7[%swap3A, %swap3A_31] : memref<1000x128xf32, #tpu.memory_space<vmem>>, vector<1000x128xf32>
    tpu.vector_store %arg7[%swap3A, %swap3A_31], %add3A_30 {strides = array<i32>} : memref<1000x128xf32, #tpu.memory_space<vmem>>, vector<1000x128xf32>,
    return
  }
  func.func @transform_0(%arg0: i32) -> (i32, i32, i32) {
    %c0_i32 = arith.constant 0 : i32
    %c0_i32_0 = arith.constant 0 : i32
    %c0_i32_1 = arith.constant 0 : i32
    return %c0_i32, %arg0, %c0_i32_0 : i32, i32, i32
  }
  func.func @transform_1(%arg0: i32) -> (i32, i32) {
    %c0_i32 = arith.constant 0 : i32
    %c0_i32_0 = arith.constant 0 : i32
    return %arg0, %c0_i32 : i32, i32
  }
  func.func @transform_2(%arg0: i32) -> (i32, i32) {
    %c0_i32 = arith.constant 0 : i32
    %c0_i32_0 = arith.constant 0 : i32
    return %arg0, %c0_i32 : i32, i32
  }
  func.func @transform_3(%arg0: i32) -> (i32, i32) {
    %c0_i32 = arith.constant 0 : i32
    %c0_i32_0 = arith.constant 0 : i32
    %c0_i32_1 = arith.constant 0 : i32
    return %c0_i32, %c0_i32_0 : i32, i32
  }
  func.func @transform_4(%arg0: i32) -> (i32, i32) {
    %c0_i32 = arith.constant 0 : i32
    %c0_i32_0 = arith.constant 0 : i32
    %c0_i32_1 = arith.constant 0 : i32
    return %c0_i32, %c0_i32_0 : i32, i32
  }
  func.func @transform_5(%arg0: i32) -> (i32, i32) {
    %c0_i32 = arith.constant 0 : i32
    %c0_i32_0 = arith.constant 0 : i32
    %c0_i32_1 = arith.constant 0 : i32
    return %c0_i32, %c0_i32_0 : i32, i32
  }
  func.func @transform_6(%arg0: i32) -> (i32, i32) {
    %c0_i32 = arith.constant 0 : i32
    %c0_i32_0 = arith.constant 0 : i32
    return %arg0, %c0_i32 : i32, i32
  }
}

</mosaic_0001>

<sc_bundles>
// kernel: kernel.6.cloned.1.call-start
scs
__scs_entry_jumppad:
0x0: {  	(pc) =	sbr.rel $0x88, $3  }
0x1: {  	(tag) =	ssettag $0x0;
	lr =	simm.s32 $0x1  }
0x2: {  	[smem:$0x3F99] =	sst lr;
	_ =	strace $0xD0000000  }
0x3: {  	_ = 	snop  }
0x4: {  	_ = 	snop  }
0x5: {  	_ = 	snop  }
0x6: {  	_ = 	snop  }
0x7: {  	_ = 	snop  }
__scs_overlays_trampoline_lowered:
0x8: {  	[smem:$0x3FA8] =	sst s0  }
0x9: {  	[smem:$0x3FA9] =	sst s1  }
0xa: {  	[smem:$0x3FAA] =	sst s2  }
0xb: {  	[smem:$0x3FAB] =	sst s3  }
0xc: {  	[smem:$0x3FAC] =	sst s4  }
0xd: {  	[smem:$0x3FAD] =	sst s5  }
0xe: {  	[smem:$0x3FAE] =	sst s6  }
0xf: {  	[smem:$0x3FAF] =	sst s7  }
0x10: {  	[smem:$0x3FB0] =	sst s8  }
0x11: {  	[smem:$0x3FB1] =	sst s9;
	s0 =	simm.s32 @!p0 $0x0  }
0x12: {  	s1 =	sld [smem:$0x3F97];
	s0 =	simm.s32 @p0 $0x1  }
0x13: {  	[smem:$0x3FB2] =	sst s0;
	s0 =	simm.s32 @!p1 $0x0  }
0x14: {  	s2 =	sld [smem:$0x3F96];
	s0 =	simm.s32 @p1 $0x1  }
0x15: {  	[smem:$0x3FB3] =	sst s0;
	s0 =	simm.s32 @!p2 $0x0  }
0x16: {  	s3 =	sld [smem:$0x3FDB];
	s0 =	simm.s32 @p2 $0x1  }
0x17: {  	s4 =	simm.s32 $0x1BF5;
	[smem:$0x3FB5] =	sst s0  }
0x18: {  	s0 =	sld [smem:$0x3F98];
	_ =	swait.ge [sflag:s4], $0x0  }
0x19: {  	s7 =	sld [smem:$0x3F99]  }
0x1a: {  	s8 =	sadd.s32 $0xFFFFE003, lr  }
0x1b: {  	s9 =	sadd.s32 $0xFFFFFEF7, lr;
	s5 =	simm.s32 $0xFFFFFFFF;
	p2 =	slt.u32 s8, $0xFFFFF086  }
0x1c: {  	p1 =	slt.u32 s9, $0xF7A;
	s5 =	simm.s32 @!p2 $0x0  }
0x1d: {  	s5 =	simm.s32 @p1 $0x1;
	p0 =	seq.s32 s7, s2  }
0x1e: {  	s7 =	smul.u32 @!p0 $0xF7A, s2;
	p2 =	seq.s32 @!p0 s5, $0x0  }
0x1f: {  	s9 =	smul.u32 $0xF7A, s1;
	s8 =	simm.s32 @!p0 $0x1BF5;
	p2 =	por !p2, p0  }
0x20: {  	[sflag:s8] =	ssyncset.s32 @!p0 $0xFFFFF086;
	s6 =	sadd.s32 @!p0 s3, s7;
	s7 =	simm.s32 @!p0 $0x108  }
0x21: {  	s3 =	sadd.s32 s3, s9;
	s6 =	sadd.s32 @!p0 $0x88, s6;
	s7 =	simm.s32 @p2 $0x1082  }
0x22: {  	[simem:s7], [sflag:s8] =	dma.local @!p0 [hbm:s6], $0xF7A  }
0x23: {  	s9 =	sor.u32 $0xD0000000, s2;
	s6 =	simm.s32 $0x108;
	_ =	swait.ge @!p0 [sflag:s8], $0x0  }
0x24: {  	s3 =	sadd.s32 $0x88, s3;
	s6 =	simm.s32 @!p1 $0x1082;
	[sflag:s4] =	ssyncset.s32 $0xFFFFF086  }
0x25: {  	[simem:s6], [sflag:s4] =	dma.local [hbm:s3], $0xF7A  }
0x26: {  	[smem:$0x3F99] =	sst s1;
	(tag) =	ssettag s2;
	_ =	strace s9  }
0x27: {  	s1 =	sld [smem:$0x3FA9]  }
0x28: {  	s2 =	sld [smem:$0x3FAA]  }
0x29: {  	s4 =	sld [smem:$0x3FAC]  }
0x2a: {  	p0 =	seq.s32 s5, $0x0;
	s5 =	sld [smem:$0x3FAD]  }
0x2b: {  	s6 =	sld [smem:$0x3FAE]  }
0x2c: {  	s7 =	sld [smem:$0x3FAF]  }
0x2d: {  	s3 =	simm.s32 $0x108;
	s8 =	sld [smem:$0x3FB0]  }
0x2e: {  	s3 =	simm.s32 @!p0 $0x1082;
	s9 =	sld [smem:$0x3FB1]  }
0x2f: {  	lr =	sadd.s32 s0, s3;
	s0 =	sld [smem:$0x3FA8]  }
0x30: {  	s3 =	sld [smem:$0x3FAB]  }
0x31: {  	[smem:$0x3FB4] =	sst s10  }
0x32: {  	s10 =	sld [smem:$0x3FB2];
	_ =	sdelay $0x3  }
0x33: {  	p0 =	seq.s32 s10, $0x1;
	s10 =	sld [smem:$0x3FB4];
	_ =	sdelay $0x3  }
0x34: {  	[smem:$0x3FB4] =	sst s10  }
0x35: {  	s10 =	sld [smem:$0x3FB3];
	_ =	sdelay $0x3  }
0x36: {  	p1 =	seq.s32 s10, $0x1;
	s10 =	sld [smem:$0x3FB4];
	_ =	sdelay $0x3  }
0x37: {  	[smem:$0x3FB4] =	sst s10  }
0x38: {  	s10 =	sld [smem:$0x3FB5]  }
0x39: {  	_ = 	snop;
	(pc) =	sbr.ind lr, $3  }
0x3a: {  	_ = 	snop  }
0x3b: {  	_ = 	snop  }
0x3c: {  	p2 =	seq.s32 s10, $0x1;
	s10 =	sld [smem:$0x3FB4]  }
0x3d: {  	_ =	shalt  }
0x3e: {  	_ =	shalt  }
0x3f: {  	_ =	shalt  }
0x40: {  	_ =	shalt  }
0x41: {  	_ =	shalt  }
0x42: {  	_ =	shalt  }
0x43: {  	_ =	shalt  }
0x44: {  	_ =	shalt  }
0x45: {  	_ =	shalt  }
0x46: {  	_ =	shalt  }
0x47: {  	_ =	shalt  }
0x48: {  	_ =	shalt  }
0x49: {  	_ =	shalt  }
0x4a: {  	_ =	shalt  }
0x4b: {  	_ =	shalt  }
0x4c: {  	_ =	shalt  }
0x4d: {  	_ =	shalt  }
0x4e: {  	_ =	shalt  }
0x4f: {  	_ =	shalt  }
0x50: {  	_ =	shalt  }
0x51: {  	_ =	shalt  }
0x52: {  	_ =	shalt  }
0x53: {  	_ =	shalt  }
0x54: {  	_ =	shalt  }
0x55: {  	_ =	shalt  }
0x56: {  	_ =	shalt  }
0x57: {  	_ =	shalt  }
0x58: {  	_ =	shalt  }
0x59: {  	_ =	shalt  }
0x5a: {  	_ =	shalt  }
0x5b: {  	_ =	shalt  }
0x5c: {  	_ =	shalt  }
0x5d: {  	_ =	shalt  }
0x5e: {  	_ =	shalt  }
0x5f: {  	_ =	shalt  }
0x60: {  	_ =	shalt  }
0x61: {  	_ =	shalt  }
0x62: {  	_ =	shalt  }
0x63: {  	_ =	shalt  }
0x64: {  	_ =	shalt  }
0x65: {  	_ =	shalt  }
0x66: {  	_ =	shalt  }
0x67: {  	_ =	shalt  }
0x68: {  	_ =	shalt  }
0x69: {  	_ =	shalt  }
0x6a: {  	_ =	shalt  }
0x6b: {  	_ =	shalt  }
0x6c: {  	_ =	shalt  }
0x6d: {  	_ =	shalt  }
0x6e: {  	_ =	shalt  }
0x6f: {  	_ =	shalt  }
0x70: {  	_ =	shalt  }
0x71: {  	_ =	shalt  }
0x72: {  	_ =	shalt  }
0x73: {  	_ =	shalt  }
0x74: {  	_ =	shalt  }
0x75: {  	_ =	shalt  }
0x76: {  	_ =	shalt  }
0x77: {  	_ =	shalt  }
0x78: {  	_ =	shalt  }
0x79: {  	_ =	shalt  }
0x7a: {  	_ =	shalt  }
0x7b: {  	_ =	shalt  }
0x7c: {  	_ =	shalt  }
0x7d: {  	_ =	shalt  }
0x7e: {  	_ =	shalt  }
0x7f: {  	_ =	shalt  }
0x80: {  	_ =	shalt  }
0x81: {  	_ =	shalt  }
0x82: {  	_ =	shalt  }
0x83: {  	_ =	shalt  }
0x84: {  	_ =	shalt  }
0x85: {  	_ =	shalt  }
0x86: {  	_ =	shalt  }
0x87: {  	_ =	shalt  }
.Lfunc_end0:
.L_simem_size_0:
called_computation_lowered:
.L_overlay_start_0:
0x88: {  	s2 =	sld [smem:$0x3FD9]  }
0x89: {  	s3 =	sld [smem:$0x3FFE];
	_ =	sdelay $0x1  }
0x8a: {  	s1 =	srdreg.scid  }
0x8b: {  	s0 =	sand.u32 $0x1, s1  }
0x8c: {  	s17 =	sshll.u32 s0, $0xA;
	s2 =	sadd.s32 s3, s2  }
0x8d: {  	s2 =	sadd.s32 s2, s17  }
0x8e: {  	[smem:$0x3FC0] =	sst s2  }
0x8f: {  	_ = 	snop  }
0x90: {  	s2 =	sld [smem:$0x3FC9]  }
0x91: {  	s18 =	sld [smem:$0x3FD0];
	(tm) =	ssettm $0x1  }
0x92: {  	s4 =	sld [smem:$0x3FFB];
	_ =	sdelay $0x3  }
0x93: {  	_ =	strace s4  }
0x94: {  	s4 =	sld [smem:$0x3FFC];
	_ =	sdelay $0x3  }
0x95: {  	_ =	strace s4  }
0x96: {  	s4 =	sld [smem:$0x3FFD];
	_ =	sdelay $0x3  }
0x97: {  	_ =	strace s4  }
0x98: {  	_ =	strace $0x8FFFFFFF  }
0x99: {  	s19 =	sld [smem:$0x3FDB];
	_ =	sdelay $0x1  }
0x9a: {  	s5 =	simm.s32 $_scs_section_size  }
0x9b: {  	s6 =	simm.s32 $_size__tile_overlayer_lowered;
	s7 =	simm.s32 $_tile_overlayer_lowered  }
0x9c: {  	s22 =	simm.s32 $0x1BFF;
	s21 =	sshll.u32 s7, $0x1;
	s4 =	sadd.s32 s5, s19  }
0x9d: {  	s8 =	simm.s32 $0x0;
	s20 =	sshll.u32 s6, $0x1;
	s6 =	sadd.s32 s21, s4  }
0x9e: {  	[timem:s8], [sflag:s22] =	dma.local [hbm:s6], s20  }
0x9f: {  	_ =	swait.ge [sflag:s22], s20  }
0xa0: {  	s5 =	ssub.s32 $0x0, s20;
	[sflag:s22] =	ssyncset.done $0x0  }
0xa1: {  	[sflag:s22] =	ssyncadd.s32 s5;
	_ =	sdelay $0x1  }
0xa2: {  	s23 =	simm.s32 $0x1B8B  }
0xa3: {  	_ =	swait.ge [sflag:s23], $0x1  }
0xa4: {  	[sflag:s23] =	ssyncset.done $0x0  }
0xa5: {  	s25 =	simm.s32 $0x1B8E;
	s24 =	sld [smem:$0x3FFE];
	[sflag:s23] =	ssyncadd.s32 $0xFFFFFFFF  }
0xa6: {  	s26 =	simm.s32 $execute0_lowered;
	[smem:$0x3FD2] =	sst s25  }
0xa7: {  	s6 =	sshll.u32 s26, $0x1;
	_ =	strace $0x80000046;
	[dreg:$0x1] =	wrdreg $0xFFFFFFFF  }
0xa8: {  	s28 =	simm.s32 $_size_execute0_lowered;
	s4 =	sadd.s32 s4, s6;
	[dreg:$0x0] =	wrdreg $0x0  }
0xa9: {  	s6 =	sshll.u32 s28, $0x1;
	[dreg:$0x2] =	wrdreg s4  }
0xaa: {  	[dreg:$0x3] =	wrdreg s6  }
0xab: {  	[dreg:$0x4] =	wrdreg $0xC0  }
0xac: {  	_ =	task [dreg:s8], $0x5FFFF  }
0xad: {  	[dreg:$0x1] =	wrdreg $0xFFFFFFFF  }
0xae: {  	[dreg:$0x0] =	wrdreg $0x60  }
0xaf: {  	[dreg:$0x2] =	wrdreg s2  }
0xb0: {  	[dreg:$0x3] =	wrdreg s24  }
0xb1: {  	[dreg:$0x4] =	wrdreg s18  }
0xb2: {  	[dreg:$0x5] =	wrdreg $0x84000  }
0xb3: {  	[dreg:$0x6] =	wrdreg $0x1C8000  }
0xb4: {  	[dreg:$0x7] =	wrdreg $0x9  }
0xb5: {  	_ =	task.clear_ibuf [dreg:s8], $0x8FFFF;
	_ =	strace $0x90000046  }
0xb6: {  	s29 =	simm.s32 $0x9;
	_ =	strace $0x80000048  }
0xb7: {  	_ =	swait.ge [sflag:s29], $0x1  }
0xb8: {  	[sflag:s29] =	ssyncadd.s32 $0xFFFFFFFF  }
0xb9: {  	_ =	strace $0x90000048  }
0xba: {  	_ =	sfence  }
0xbb: {  	s30 =	sld [smem:$0x0];
	_ =	sdelay $0x2  }
0xbc: {  	s31 =	sshll.u32 s1, $0xD;
	s1 =	sshrl.u32 s1, $0x2  }
0xbd: {  	s3 =	sand.u32 $0x4000, s31;
	s1 =	sadd.s32 s1, s30  }
0xbe: {  	s0 =	sor.u32 s3, s0;
	s1 =	sshll.u32 s1, $0x11  }
0xbf: {  	s0 =	sor.u32 s1, s0  }
0xc0: {  	s0 =	sadd.s32 $0x8F2B, s0  }
0xc1: {  	[sflag:s0] =	ssyncadd.remote.s32 $0x1  }
0xc2: {  	_ =	sfence.sel $0xFFFF  }
0xc3: {  	[dreg:$0x0] =	wrdreg $0xFFFFFFFF;
	(pc) =	sbr.abs _section_cstart, $3  }
0xc4: {  	[dreg:$0x1] =	wrdreg $0xFFFFFFFF  }
0xc5: {  	_ =	task.clear_ibuf [dreg:s8], $0x2FFFF;
	_ =	strace $0x9FFFFFFF  }
0xc6: {  	(tm) =	ssettm $0x7FFFFFFF  }
0xc7: {  	_ =	shalt  }
tec
execute0_lowered:
.L_overlay_start_1:
0x0: {  	(tag) =	ssettag $0x1  }
0x1: {  	s1 =	rddreg [dreg:$0x0]  }
0x2: {  	s0 =	rddreg [dreg:$0x1]  }
0x3: {  	s3 =	rddreg [dreg:$0x2]  }
0x4: {  	s2 =	rddreg [dreg:$0x3]  }
0x5: {  	s4 =	rddreg [dreg:$0x4];
	s5 =	simm.s32 $0x0  }
0x6: {  	s6 =	srdreg.scid;
	s14 =	stileid.u32;
	s28 =	simm.s32 $0x2  }
0x7: {  	s29 =	simm.s32 $0x4400;
	s30 =	simm.s32 $0x5;
	s31 =	simm.s32 $0x7  }
0x8: {  	[smem:$0x7FF] =	sst s5;
	s6 =	sand.u32 $0x1, s6;
	s7 =	smul.u32 $0x13C00, s14  }
0x9: {  	s10 =	sadd.s32 $0x16E00, s0;
	s13 =	sadd.s32 $0x16600, s0;
	s12 =	smul.u32 $0xA0, s14  }
0xa: {  	s15 =	sshll.u32 s14, $0x1;
	s18 =	sshll.u32 s14, $0x6;
	s14 =	smul.u32 $0x2780, s14  }
0xb: {  	_ =	strace $0x80000047;
	s9 =	smul.u32 $0x13C000, s6;
	[dreg:$0x8] =	wrdreg s10  }
0xc: {  	s11 =	sadd.s32 $0x16800, s0;
	[dreg:$0x9] =	wrdreg s13;
	s13 =	smul.u32 $0x50, s6  }
0xd: {  	s10 =	sor.u32 s6, s15;
	s16 =	ssub.s32 $0x2, s6;
	s6 =	smul.u32 $0x27800, s6  }
0xe: {  	s8 =	sadd.s32 $0x2600, s0;
	[dreg:$0xa] =	wrdreg s11;
	s10 =	smul.u32 $0xA00, s10  }
0xf: {  	s17 =	sshrl.u32 s16, $0x1;
	s20 =	sadd.s32 s14, s4;
	s9 =	sadd.s32 s7, s9  }
0x10: {  	s11 =	ssub.s32 s16, s17;
	s7 =	sadd.s32 s7, s2;
	s19 =	sadd.s32 s13, s12  }
0x11: {  	s6 =	sadd.s32 s14, s6;
	s16 =	sshrl.u32 s20, $0x3;
	s12 =	simm.s32 $0x380  }
0x12: {  	s14 =	simm.s32 $0x0;
	s9 =	sshrl.u32 s9, $0x3;
	s15 =	sadd.s32 s8, s10  }
0x13: {  	s10 =	sshll.u32 s19, $0x5;
	s23 =	sshrl.u32 s6, $0x3;
	s26 =	smax.u32 s11, $0x1  }
0x14: {  	s19 =	simm.s32 $0x1C000;
	s6 =	simm.s32 $0x180;
	s11 =	simm.s32 $0x280  }
0x15: {  	[dreg:$0x12] =	wrdreg s16;
	s0 =	sadd.s32 s9, s0;
	s9 =	sor.u32 $0x1C09, s18  }
0x16: {  	s21 =	sadd.s32 $0x20, s15;
	[dreg:$0xb] =	wrdreg s15;
	s22 =	sadd.s32 $0x40, s15  }
0x17: {  	s13 =	sadd.s32 s10, s8;
	[dreg:$0x10] =	wrdreg s26;
	s15 =	sshrl.u32 s7, $0x3  }
0x18: {  	s18 =	simm.s32 $0x9;
	s26 =	simm.s32 $0x300;
	[dreg:$0xc] =	wrdreg s21  }
0x19: {  	s7 =	simm.s32 $0x8;
	s8 =	simm.s32 $0x4;
	[dreg:$0xd] =	wrdreg s22  }
0x1a: {  	s0 =	sadd.s32 $0x19600, s0;
	s24 =	sadd.s32 $0xC0, s13;
	[dreg:$0x11] =	wrdreg s15  }
0x1b: {  	s25 =	sadd.s32 $0x80, s13;
	s21 =	simm.s32 $0x100;
	[dreg:$0xe] =	wrdreg s0  }
0x1c: {  	s22 =	simm.s32 $0x200;
	s0 =	sadd.s32 s3, s23;
	[dreg:$0x6] =	wrdreg s24  }
0x1d: {  	[dreg:$0x7] =	wrdreg s25;
	s24 =	simm.s32 $0x80;
	s25 =	simm.s32 $0x400  }
0x1e: {  	s3 =	simm.s32 $0x6;
	[dreg:$0xf] =	wrdreg s0;
	s0 =	simm.s32 $0x3  }
.LBB2_1:
0x1f: {  	s10 =	rddreg [dreg:$0x8]  }
0x20: {  	[spmem:s15], [sflag:s9] =	dma.local [hbm:s10], $0x2780  }
0x21: {  	_ =	swait.ge [sflag:s18], $0x2780  }
0x22: {  	[sflag:s18] =	ssyncset.done $0x0  }
0x23: {  	s17 =	rddreg [dreg:$0x9];
	[sflag:s18] =	ssyncadd.s32 $0xFFFFD880  }
0x24: {  	[tilespmem:s19], [sflag:$0x9] =	stream.linear.gather [hbm4b:s17+s5], $0x800, $0x38;
	[tilespmem:$0x1EF80] =	vst v63  }
0x25: {  	_ =	swait.ge [sflag:s18], $0x800  }
0x26: {  	[sflag:s18] =	ssyncset.done $0x0  }
0x27: {  	s20 =	rddreg [dreg:$0xa];
	[sflag:s18] =	ssyncadd.s32 $0xFFFFF800  }
0x28: {  	[spmem:s16], [sflag:s9] =	dma.local [hbm:s20], $0x4F0  }
0x29: {  	_ =	swait.ge [sflag:s18], $0x4F0  }
0x2a: {  	[sflag:s18] =	ssyncset.done $0x0  }
0x2b: {  	[sflag:s18] =	ssyncadd.s32 $0xFFFFFB10  }
0x2c: {  	[bflag:$0x0] =	sbarrier.arrive $0xFFFF  }
0x2d: {  	s23 =	rddreg [dreg:$0xb]  }
0x2e: {  	[tilespmem:s5], [sflag:$0x1] =	stream.linear.gather [hbm4b:s23+s5], $0x100, $0x38;
	[tilespmem:$0x1EF80] =	vst v63  }
0x2f: {  	s15 =	rddreg [dreg:$0xc]  }
0x30: {  	[tilespmem:s21], [sflag:$0x2] =	stream.linear.gather [hbm4b:s15+s5], $0x100, $0x38;
	[tilespmem:$0x1EF80] =	vst v63  }
0x31: {  	s17 =	simm.s32 $0x1;
	s16 =	rddreg [dreg:$0xd]  }
0x32: {  	[tilespmem:s22], [sflag:$0x3] =	stream.linear.gather [hbm4b:s16+s5], $0x100, $0x38;
	[tilespmem:$0x1EF80] =	vst v63  }
0x33: {  	p0 =	por $0x1, $0x1;
	_ =	swait.ge [sflag:s17], $0x100  }
0x34: {  	p0 =	por p0, p0;
	[sflag:s17] =	ssyncset.done $0x0  }
0x35: {  	s10 =	simm.s32 @!p0 $0x8;
	[sflag:s17] =	ssyncadd.s32 $0xFFFFFF00  }
0x36: {  	[tilespmem:s25], [sflag:$0x5] =	stream.indirect.gather [hbm4b:s1+s24], $0x80, s5, s24, $0xb8;
	[tilespmem:$0x1EF80] =	vst v63  }
0x37: {  	_ =	swait.ge @!p0 [sflag:s10], $0x4000  }
0x38: {  	[sflag:s10] =	ssyncset.done @!p0 $0x0  }
0x39: {  	[sflag:s10] =	ssyncadd.s32 @!p0 $0xFFFFC000  }
0x3a: {  	_ =	swait.ge @!p0 [sflag:s10], $0x800  }
0x3b: {  	s20 =	sadd.s32 $0x0, s13;
	[sflag:s10] =	ssyncset.done @!p0 $0x0  }
0x3c: {  	s23 =	sadd.s32 $0x60, s20;
	[sflag:s10] =	ssyncadd.s32 @!p0 $0xFFFFF800  }
0x3d: {  	[tilespmem:s26], [sflag:$0x4] =	stream.linear.gather [hbm4b:s23+s5], $0x100, $0x38;
	[tilespmem:$0x1EF80] =	vst v63  }
0x3e: {  	_ =	swait.ge [sflag:s28], $0x100  }
0x3f: {  	[sflag:s28] =	ssyncset.done $0x0  }
0x40: {  	[sflag:s28] =	ssyncadd.s32 $0xFFFFFF00  }
0x41: {  	[tilespmem:s29], [sflag:$0x6] =	stream.indirect.gather [hbm4b:s1+s24], $0x80, s21, s24, $0xb8;
	[tilespmem:$0x1EF80] =	vst v63  }
0x42: {  	_ =	swait.ge [sflag:s30], $0x4000  }
0x43: {  	[sflag:s30] =	ssyncset.done $0x0  }
0x44: {  	[sflag:s30] =	ssyncadd.s32 $0xFFFFC000  }
0x45: {  	[spmem:s2] =	stream.indirect.scatter.add.f32 [tilespmem:s25], [sflag:$0x7], $0x80, s24, s24, $0xb8;
	[tilespmem:$0x1EF80] =	vst v63  }
0x46: {  	_ = 	snop  }
0x47: {  	[spmem:s4] =	stream.indirect.scatter.add.f32 [tilespmem:s19], [sflag:$0x7], $0x10, s24, s24, $0xb8;
	[tilespmem:$0x1EF80] =	vst v63  }
0x48: {  	_ =	swait.ge [sflag:s31], $0x4000  }
0x49: {  	[sflag:s31] =	ssyncset.done $0x0  }
0x4a: {  	[sflag:s31] =	ssyncadd.s32 $0xFFFFC000  }
0x4b: {  	_ =	swait.ge [sflag:s31], $0x800  }
0x4c: {  	p0 =	por $0x0, $0x0;
	s10 =	rddreg [dreg:$0x7];
	[sflag:s31] =	ssyncset.done $0x0  }
0x4d: {  	s15 =	simm.s32 @!p0 $0x0;
	[sflag:s31] =	ssyncadd.s32 $0xFFFFF800;
	s10 =	sadd.s32 @!p0 $0x0, s10  }
0x4e: {  	[tilespmem:s15], [sflag:$0x1] =	stream.linear.gather @!p0 [hbm4b:s10+s15], $0x100, $0x38;
	[tilespmem:$0x1EF80] =	vst v63  }
0x4f: {  	_ =	swait.ge [sflag:s0], $0x100  }
0x50: {  	[sflag:s0] =	ssyncset.done $0x0  }
0x51: {  	[sflag:s0] =	ssyncadd.s32 $0xFFFFFF00  }
0x52: {  	[tilespmem:s25], [sflag:$0x5] =	stream.indirect.gather [hbm4b:s1+s24], $0x80, s22, s24, $0xb8;
	[tilespmem:$0x1EF80] =	vst v63  }
0x53: {  	_ =	swait.ge [sflag:s3], $0x4000  }
0x54: {  	[sflag:s3] =	ssyncset.done $0x0  }
0x55: {  	[sflag:s3] =	ssyncadd.s32 $0xFFFFC000  }
0x56: {  	[spmem:s2] =	stream.indirect.scatter.add.f32 [tilespmem:s29], [sflag:$0x8], $0x80, s6, s24, $0xb8;
	[tilespmem:$0x1EF80] =	vst v63  }
0x57: {  	_ = 	snop  }
0x58: {  	[spmem:s4] =	stream.indirect.scatter.add.f32 [tilespmem:s19], [sflag:$0x8], $0x10, s6, s24, $0xb8;
	[tilespmem:$0x1EF80] =	vst v63  }
0x59: {  	_ =	swait.ge [sflag:s7], $0x4000  }
0x5a: {  	[sflag:s7] =	ssyncset.done $0x0  }
0x5b: {  	[sflag:s7] =	ssyncadd.s32 $0xFFFFC000  }
0x5c: {  	_ =	swait.ge [sflag:s7], $0x800  }
0x5d: {  	s10 =	sadd.s32 @!p0 $0x0, s13;
	[sflag:s7] =	ssyncset.done $0x0  }
0x5e: {  	s16 =	simm.s32 @!p0 $0x100;
	s10 =	sadd.s32 @!p0 $0xA0, s10;
	[sflag:s7] =	ssyncadd.s32 $0xFFFFF800  }
0x5f: {  	[tilespmem:s16], [sflag:$0x2] =	stream.linear.gather @!p0 [hbm4b:s10+s15], $0x100, $0x38;
	[tilespmem:$0x1EF80] =	vst v63  }
0x60: {  	_ =	swait.ge [sflag:s8], $0x100  }
0x61: {  	[sflag:s8] =	ssyncset.done $0x0  }
0x62: {  	[sflag:s8] =	ssyncadd.s32 $0xFFFFFF00  }
0x63: {  	[tilespmem:s29], [sflag:$0x6] =	stream.indirect.gather [hbm4b:s1+s24], $0x80, s26, s24, $0xb8;
	[tilespmem:$0x1EF80] =	vst v63  }
0x64: {  	_ =	swait.ge [sflag:s30], $0x4000  }
0x65: {  	[sflag:s30] =	ssyncset.done $0x0  }
0x66: {  	[sflag:s30] =	ssyncadd.s32 $0xFFFFC000  }
0x67: {  	[spmem:s2] =	stream.indirect.scatter.add.f32 [tilespmem:s25], [sflag:$0x7], $0x80, s11, s24, $0xb8;
	[tilespmem:$0x1EF80] =	vst v63  }
0x68: {  	_ = 	snop  }
0x69: {  	[spmem:s4] =	stream.indirect.scatter.add.f32 [tilespmem:s19], [sflag:$0x7], $0x10, s11, s24, $0xb8;
	[tilespmem:$0x1EF80] =	vst v63  }
0x6a: {  	_ =	swait.ge [sflag:s31], $0x4000  }
0x6b: {  	[sflag:s31] =	ssyncset.done $0x0  }
0x6c: {  	[sflag:s31] =	ssyncadd.s32 $0xFFFFC000  }
0x6d: {  	_ =	swait.ge [sflag:s31], $0x800  }
0x6e: {  	s10 =	rddreg [dreg:$0x6];
	[sflag:s31] =	ssyncset.done $0x0  }
0x6f: {  	s16 =	simm.s32 @!p0 $0x200;
	[sflag:s31] =	ssyncadd.s32 $0xFFFFF800;
	s10 =	sadd.s32 @!p0 $0x0, s10  }
0x70: {  	[tilespmem:s16], [sflag:$0x3] =	stream.linear.gather @!p0 [hbm4b:s10+s15], $0x100, $0x38;
	[tilespmem:$0x1EF80] =	vst v63  }
0x71: {  	s10 =	simm.s32 @!p0 $0x1  }
0x72: {  	_ =	swait.ge @!p0 [sflag:s10], $0x100  }
0x73: {  	[sflag:s10] =	ssyncset.done @!p0 $0x0  }
0x74: {  	s16 =	simm.s32 @!p0 $0x400;
	[sflag:s10] =	ssyncadd.s32 @!p0 $0xFFFFFF00;
	s10 =	simm.s32 @!p0 $0x80  }
0x75: {  	[tilespmem:s16], [sflag:$0x5] =	stream.indirect.gather @!p0 [hbm4b:s1+s10], $0x80, s15, s10, $0xb8;
	[tilespmem:$0x1EF80] =	vst v63  }
0x76: {  	_ =	swait.ge [sflag:s3], $0x4000  }
0x77: {  	p6 =	por $0x0, $0x0;
	s15 =	simm.s32 $0x80;
	[sflag:s3] =	ssyncset.done $0x0  }
0x78: {  	s16 =	simm.s32 $0x100;
	p0 =	por p6, p6;
	[sflag:s3] =	ssyncadd.s32 $0xFFFFC000  }
0x79: {  	[spmem:s2] =	stream.indirect.scatter.add.f32 [tilespmem:s29], [sflag:$0x8], $0x80, s12, s24, $0xb8;
	[tilespmem:$0x1EF80] =	vst v63  }
.LBB2_2:
0x7a: {  	[spmem:s4] =	stream.indirect.scatter.add.f32 [tilespmem:s19], [sflag:$0x8], $0x10, s12, s24, $0xb8;
	[tilespmem:$0x1EF80] =	vst v63  }
0x7b: {  	s23 =	simm.s32 @!p0 $0x8  }
0x7c: {  	_ =	swait.ge @!p0 [sflag:s23], $0x4000  }
0x7d: {  	[sflag:s23] =	ssyncset.done @!p0 $0x0  }
0x7e: {  	[sflag:s23] =	ssyncadd.s32 @!p0 $0xFFFFC000  }
0x7f: {  	_ =	swait.ge @!p0 [sflag:s23], $0x800  }
0x80: {  	s17 =	sadd.s32 s15, s13;
	[sflag:s23] =	ssyncset.done @!p0 $0x0  }
0x81: {  	s17 =	sadd.s32 $0x60, s17;
	[sflag:s23] =	ssyncadd.s32 @!p0 $0xFFFFF800  }
0x82: {  	[tilespmem:s26], [sflag:$0x4] =	stream.linear.gather [hbm4b:s17+s5], $0x100, $0x38;
	[tilespmem:$0x1EF80] =	vst v63  }
0x83: {  	_ =	swait.ge [sflag:s28], $0x100  }
0x84: {  	[sflag:s28] =	ssyncset.done $0x0  }
0x85: {  	[sflag:s28] =	ssyncadd.s32 $0xFFFFFF00  }
0x86: {  	[tilespmem:s29], [sflag:$0x6] =	stream.indirect.gather [hbm4b:s1+s24], $0x80, s21, s24, $0xb8;
	[tilespmem:$0x1EF80] =	vst v63  }
0x87: {  	_ =	swait.ge [sflag:s30], $0x4000  }
0x88: {  	[sflag:s30] =	ssyncset.done $0x0  }
0x89: {  	[sflag:s30] =	ssyncadd.s32 $0xFFFFC000  }
0x8a: {  	[spmem:s2] =	stream.indirect.scatter.add.f32 [tilespmem:s25], [sflag:$0x7], $0x80, s24, s24, $0xb8;
	[tilespmem:$0x1EF80] =	vst v63  }
0x8b: {  	_ = 	snop  }
0x8c: {  	[spmem:s4] =	stream.indirect.scatter.add.f32 [tilespmem:s19], [sflag:$0x7], $0x10, s24, s24, $0xb8;
	[tilespmem:$0x1EF80] =	vst v63  }
0x8d: {  	_ =	swait.ge [sflag:s31], $0x4000  }
0x8e: {  	s10 =	smov.u32 s16;
	[sflag:s31] =	ssyncset.done $0x0  }
0x8f: {  	p2 =	seq.s32 s10, $0x0;
	[sflag:s31] =	ssyncadd.s32 $0xFFFFC000  }
0x90: {  	p0 =	por p2, p2;
	_ =	swait.ge [sflag:s31], $0x800  }
0x91: {  	p2 =	seq.s32 s15, $0x980;
	s17 =	rddreg [dreg:$0x7];
	[sflag:s31] =	ssyncset.done $0x0  }
0x92: {  	s23 =	simm.s32 @!p2 $0x0;
	[sflag:s31] =	ssyncadd.s32 $0xFFFFF800;
	s17 =	sadd.s32 @!p2 s15, s17  }
0x93: {  	[tilespmem:s23], [sflag:$0x1] =	stream.linear.gather @!p2 [hbm4b:s17+s23], $0x100, $0x38;
	[tilespmem:$0x1EF80] =	vst v63  }
0x94: {  	_ =	swait.ge [sflag:s0], $0x100  }
0x95: {  	[sflag:s0] =	ssyncset.done $0x0  }
0x96: {  	[sflag:s0] =	ssyncadd.s32 $0xFFFFFF00  }
0x97: {  	[tilespmem:s25], [sflag:$0x5] =	stream.indirect.gather [hbm4b:s1+s24], $0x80, s22, s24, $0xb8;
	[tilespmem:$0x1EF80] =	vst v63  }
0x98: {  	_ =	swait.ge [sflag:s3], $0x4000  }
0x99: {  	[sflag:s3] =	ssyncset.done $0x0  }
0x9a: {  	[sflag:s3] =	ssyncadd.s32 $0xFFFFC000  }
0x9b: {  	[spmem:s2] =	stream.indirect.scatter.add.f32 [tilespmem:s29], [sflag:$0x8], $0x80, s6, s24, $0xb8;
	[tilespmem:$0x1EF80] =	vst v63  }
0x9c: {  	_ = 	snop  }
0x9d: {  	[spmem:s4] =	stream.indirect.scatter.add.f32 [tilespmem:s19], [sflag:$0x8], $0x10, s6, s24, $0xb8;
	[tilespmem:$0x1EF80] =	vst v63  }
0x9e: {  	_ =	swait.ge [sflag:s7], $0x4000  }
0x9f: {  	[sflag:s7] =	ssyncset.done $0x0  }
0xa0: {  	[sflag:s7] =	ssyncadd.s32 $0xFFFFC000  }
0xa1: {  	_ =	swait.ge [sflag:s7], $0x800  }
0xa2: {  	s17 =	sadd.s32 @!p2 s15, s13;
	[sflag:s7] =	ssyncset.done $0x0  }
0xa3: {  	s20 =	simm.s32 @!p2 $0x100;
	s17 =	sadd.s32 @!p2 $0xA0, s17;
	[sflag:s7] =	ssyncadd.s32 $0xFFFFF800  }
0xa4: {  	[tilespmem:s20], [sflag:$0x2] =	stream.linear.gather @!p2 [hbm4b:s17+s23], $0x100, $0x38;
	[tilespmem:$0x1EF80] =	vst v63  }
0xa5: {  	_ =	swait.ge [sflag:s8], $0x100  }
0xa6: {  	[sflag:s8] =	ssyncset.done $0x0  }
0xa7: {  	[sflag:s8] =	ssyncadd.s32 $0xFFFFFF00  }
0xa8: {  	[tilespmem:s29], [sflag:$0x6] =	stream.indirect.gather [hbm4b:s1+s24], $0x80, s26, s24, $0xb8;
	[tilespmem:$0x1EF80] =	vst v63  }
0xa9: {  	_ =	swait.ge [sflag:s30], $0x4000  }
0xaa: {  	[sflag:s30] =	ssyncset.done $0x0  }
0xab: {  	[sflag:s30] =	ssyncadd.s32 $0xFFFFC000  }
0xac: {  	[spmem:s2] =	stream.indirect.scatter.add.f32 [tilespmem:s25], [sflag:$0x7], $0x80, s11, s24, $0xb8;
	[tilespmem:$0x1EF80] =	vst v63  }
0xad: {  	_ = 	snop  }
0xae: {  	[spmem:s4] =	stream.indirect.scatter.add.f32 [tilespmem:s19], [sflag:$0x7], $0x10, s11, s24, $0xb8;
	[tilespmem:$0x1EF80] =	vst v63  }
0xaf: {  	_ =	swait.ge [sflag:s31], $0x4000  }
0xb0: {  	[sflag:s31] =	ssyncset.done $0x0  }
0xb1: {  	[sflag:s31] =	ssyncadd.s32 $0xFFFFC000  }
0xb2: {  	_ =	swait.ge [sflag:s31], $0x800  }
0xb3: {  	s20 =	simm.s32 @!p2 $0x1;
	s17 =	rddreg [dreg:$0x6];
	[sflag:s31] =	ssyncset.done $0x0  }
0xb4: {  	[sflag:s31] =	ssyncadd.s32 $0xFFFFF800;
	s15 =	sadd.s32 @!p2 s15, s17;
	s17 =	simm.s32 @!p2 $0x200  }
0xb5: {  	[tilespmem:s17], [sflag:$0x3] =	stream.linear.gather @!p2 [hbm4b:s15+s23], $0x100, $0x38;
	[tilespmem:$0x1EF80] =	vst v63  }
0xb6: {  	s16 =	sadd.s32 $0x80, s16;
	_ =	swait.ge @!p2 [sflag:s20], $0x100  }
0xb7: {  	p1 =	sne.s32 s16, $0xA00;
	s15 =	smov.u32 s10;
	[sflag:s20] =	ssyncset.done @!p2 $0x0  }
0xb8: {  	s10 =	simm.s32 @!p2 $0x80;
	s17 =	simm.s32 @!p2 $0x400;
	[sflag:s20] =	ssyncadd.s32 @!p2 $0xFFFFFF00  }
0xb9: {  	[tilespmem:s17], [sflag:$0x5] =	stream.indirect.gather @!p2 [hbm4b:s1+s10], $0x80, s23, s10, $0xb8;
	[tilespmem:$0x1EF80] =	vst v63  }
.Ltmp0:
0xba: {  	_ = 	snop;
	(pc) =	sbr.rel @p1 .LBB2_2-.Ltmp0, $4  }
0xbb: {  	_ =	swait.ge [sflag:s3], $0x4000  }
0xbc: {  	[sflag:s3] =	ssyncset.done $0x0  }
0xbd: {  	[sflag:s3] =	ssyncadd.s32 $0xFFFFC000  }
0xbe: {  	[spmem:s2] =	stream.indirect.scatter.add.f32 [tilespmem:s29], [sflag:$0x8], $0x80, s12, s24, $0xb8;
	[tilespmem:$0x1EF80] =	vst v63  }
0xbf: {  	[spmem:s4] =	stream.indirect.scatter.add.f32 [tilespmem:s19], [sflag:$0x8], $0x10, s12, s24, $0xb8;
	[tilespmem:$0x1EF80] =	vst v63  }
0xc0: {  	s10 =	simm.s32 @!p0 $0x8  }
0xc1: {  	_ =	swait.ge @!p0 [sflag:s10], $0x4000  }
0xc2: {  	[sflag:s10] =	ssyncset.done @!p0 $0x0  }
0xc3: {  	[sflag:s10] =	ssyncadd.s32 @!p0 $0xFFFFC000  }
0xc4: {  	_ =	swait.ge @!p0 [sflag:s10], $0x800  }
0xc5: {  	s16 =	sadd.s32 s15, s13;
	[sflag:s10] =	ssyncset.done @!p0 $0x0  }
0xc6: {  	s16 =	sadd.s32 $0x60, s16;
	[sflag:s10] =	ssyncadd.s32 @!p0 $0xFFFFF800  }
0xc7: {  	[tilespmem:s26], [sflag:$0x4] =	stream.linear.gather [hbm4b:s16+s5], $0x100, $0x38;
	[tilespmem:$0x1EF80] =	vst v63  }
0xc8: {  	_ =	swait.ge [sflag:s28], $0x100  }
0xc9: {  	[sflag:s28] =	ssyncset.done $0x0  }
0xca: {  	[sflag:s28] =	ssyncadd.s32 $0xFFFFFF00  }
0xcb: {  	[tilespmem:s29], [sflag:$0x6] =	stream.indirect.gather [hbm4b:s1+s24], $0x80, s21, s24, $0xb8;
	[tilespmem:$0x1EF80] =	vst v63  }
0xcc: {  	_ =	swait.ge [sflag:s30], $0x4000  }
0xcd: {  	[sflag:s30] =	ssyncset.done $0x0  }
0xce: {  	[sflag:s30] =	ssyncadd.s32 $0xFFFFC000  }
0xcf: {  	[spmem:s2] =	stream.indirect.scatter.add.f32 [tilespmem:s25], [sflag:$0x7], $0x80, s24, s24, $0xb8;
	[tilespmem:$0x1EF80] =	vst v63  }
0xd0: {  	_ = 	snop  }
0xd1: {  	[spmem:s4] =	stream.indirect.scatter.add.f32 [tilespmem:s19], [sflag:$0x7], $0x10, s24, s24, $0xb8;
	[tilespmem:$0x1EF80] =	vst v63  }
0xd2: {  	_ =	swait.ge [sflag:s31], $0x4000  }
0xd3: {  	[sflag:s31] =	ssyncset.done $0x0  }
0xd4: {  	[sflag:s31] =	ssyncadd.s32 $0xFFFFC000  }
0xd5: {  	_ =	swait.ge [sflag:s31], $0x800  }
0xd6: {  	p0 =	seq.s32 s15, $0x980;
	s10 =	rddreg [dreg:$0x7];
	[sflag:s31] =	ssyncset.done $0x0  }
0xd7: {  	s16 =	simm.s32 @!p0 $0x0;
	[sflag:s31] =	ssyncadd.s32 $0xFFFFF800;
	s10 =	sadd.s32 @!p0 s15, s10  }
0xd8: {  	[tilespmem:s16], [sflag:$0x1] =	stream.linear.gather @!p0 [hbm4b:s10+s16], $0x100, $0x38;
	[tilespmem:$0x1EF80] =	vst v63  }
0xd9: {  	_ =	swait.ge [sflag:s0], $0x100  }
0xda: {  	[sflag:s0] =	ssyncset.done $0x0  }
0xdb: {  	[sflag:s0] =	ssyncadd.s32 $0xFFFFFF00  }
0xdc: {  	[tilespmem:s25], [sflag:$0x5] =	stream.indirect.gather [hbm4b:s1+s24], $0x80, s22, s24, $0xb8;
	[tilespmem:$0x1EF80] =	vst v63  }
0xdd: {  	_ =	swait.ge [sflag:s3], $0x4000  }
0xde: {  	[sflag:s3] =	ssyncset.done $0x0  }
0xdf: {  	[sflag:s3] =	ssyncadd.s32 $0xFFFFC000  }
0xe0: {  	[spmem:s2] =	stream.indirect.scatter.add.f32 [tilespmem:s29], [sflag:$0x8], $0x80, s6, s24, $0xb8;
	[tilespmem:$0x1EF80] =	vst v63  }
0xe1: {  	_ = 	snop  }
0xe2: {  	[spmem:s4] =	stream.indirect.scatter.add.f32 [tilespmem:s19], [sflag:$0x8], $0x10, s6, s24, $0xb8;
	[tilespmem:$0x1EF80] =	vst v63  }
0xe3: {  	_ =	swait.ge [sflag:s7], $0x4000  }
0xe4: {  	[sflag:s7] =	ssyncset.done $0x0  }
0xe5: {  	[sflag:s7] =	ssyncadd.s32 $0xFFFFC000  }
0xe6: {  	_ =	swait.ge [sflag:s7], $0x800  }
0xe7: {  	s10 =	sadd.s32 @!p0 s15, s13;
	[sflag:s7] =	ssyncset.done $0x0  }
0xe8: {  	s17 =	simm.s32 @!p0 $0x100;
	s10 =	sadd.s32 @!p0 $0xA0, s10;
	[sflag:s7] =	ssyncadd.s32 $0xFFFFF800  }
0xe9: {  	[tilespmem:s17], [sflag:$0x2] =	stream.linear.gather @!p0 [hbm4b:s10+s16], $0x100, $0x38;
	[tilespmem:$0x1EF80] =	vst v63  }
0xea: {  	_ =	swait.ge [sflag:s8], $0x100  }
0xeb: {  	[sflag:s8] =	ssyncset.done $0x0  }
0xec: {  	[sflag:s8] =	ssyncadd.s32 $0xFFFFFF00  }
0xed: {  	[tilespmem:s29], [sflag:$0x6] =	stream.indirect.gather [hbm4b:s1+s24], $0x80, s26, s24, $0xb8;
	[tilespmem:$0x1EF80] =	vst v63  }
0xee: {  	_ =	swait.ge [sflag:s30], $0x4000  }
0xef: {  	[sflag:s30] =	ssyncset.done $0x0  }
0xf0: {  	[sflag:s30] =	ssyncadd.s32 $0xFFFFC000  }
0xf1: {  	[spmem:s2] =	stream.indirect.scatter.add.f32 [tilespmem:s25], [sflag:$0x7], $0x80, s11, s24, $0xb8;
	[tilespmem:$0x1EF80] =	vst v63  }
0xf2: {  	_ = 	snop  }
0xf3: {  	[spmem:s4] =	stream.indirect.scatter.add.f32 [tilespmem:s19], [sflag:$0x7], $0x10, s11, s24, $0xb8;
	[tilespmem:$0x1EF80] =	vst v63  }
0xf4: {  	_ =	swait.ge [sflag:s31], $0x4000  }
0xf5: {  	[sflag:s31] =	ssyncset.done $0x0  }
0xf6: {  	[sflag:s31] =	ssyncadd.s32 $0xFFFFC000  }
0xf7: {  	_ =	swait.ge [sflag:s31], $0x800  }
0xf8: {  	s10 =	rddreg [dreg:$0x6];
	[sflag:s31] =	ssyncset.done $0x0  }
0xf9: {  	[sflag:s31] =	ssyncadd.s32 $0xFFFFF800;
	s10 =	sadd.s32 @!p0 s15, s10;
	s15 =	simm.s32 @!p0 $0x200  }
0xfa: {  	[tilespmem:s15], [sflag:$0x3] =	stream.linear.gather @!p0 [hbm4b:s10+s16], $0x100, $0x38;
	[tilespmem:$0x1EF80] =	vst v63  }
0xfb: {  	s10 =	simm.s32 @!p0 $0x1  }
0xfc: {  	_ =	swait.ge @!p0 [sflag:s10], $0x100  }
0xfd: {  	[sflag:s10] =	ssyncset.done @!p0 $0x0  }
0xfe: {  	s15 =	simm.s32 @!p0 $0x400;
	[sflag:s10] =	ssyncadd.s32 @!p0 $0xFFFFFF00;
	s10 =	simm.s32 @!p0 $0x80  }
0xff: {  	[tilespmem:s15], [sflag:$0x5] =	stream.indirect.gather @!p0 [hbm4b:s1+s10], $0x80, s16, s10, $0xb8;
	[tilespmem:$0x1EF80] =	vst v63  }
0x100: {  	_ =	swait.ge [sflag:s3], $0x4000  }
0x101: {  	[sflag:s3] =	ssyncset.done $0x0  }
0x102: {  	[sflag:s3] =	ssyncadd.s32 $0xFFFFC000  }
0x103: {  	[spmem:s2] =	stream.indirect.scatter.add.f32 [tilespmem:s29], [sflag:$0x8], $0x80, s12, s24, $0xb8;
	[tilespmem:$0x1EF80] =	vst v63  }
0x104: {  	_ = 	snop  }
0x105: {  	[spmem:s4] =	stream.indirect.scatter.add.f32 [tilespmem:s19], [sflag:$0x8], $0x10, s12, s24, $0xb8;
	[tilespmem:$0x1EF80] =	vst v63  }
0x106: {  	_ =	swait.ge [sflag:s7], $0x4000  }
0x107: {  	[sflag:s7] =	ssyncset.done $0x0  }
0x108: {  	[sflag:s7] =	ssyncadd.s32 $0xFFFFC000  }
0x109: {  	_ =	swait.ge [sflag:s7], $0x800  }
0x10a: {  	[sflag:s7] =	ssyncset.done $0x0  }
0x10b: {  	[sflag:s7] =	ssyncadd.s32 $0xFFFFF800  }
0x10c: {  	[bflag:$0x0] =	sbarrier.arrive $0xFFFF  }
0x10d: {  	s17 =	rddreg [dreg:$0xe]  }
0x10e: {  	s15 =	rddreg [dreg:$0x11]  }
0x10f: {  	[hbm:s17], [sflag:s9] =	dma.local [spmem:s15], $0x2780  }
0x110: {  	_ =	swait.ge [sflag:s18], $0x2780  }
0x111: {  	[sflag:s18] =	ssyncset.done $0x0;
	s20 =	rddreg [dreg:$0xf]  }
0x112: {  	s16 =	rddreg [dreg:$0x12];
	[sflag:s18] =	ssyncadd.s32 $0xFFFFD880  }
0x113: {  	[hbm:s20], [sflag:s9] =	dma.local [spmem:s16], $0x4F0  }
0x114: {  	_ =	swait.ge [sflag:s18], $0x4F0  }
0x115: {  	s14 =	sadd.s32 $0x1, s14;
	s23 =	rddreg [dreg:$0x10]  }
0x116: {  	p0 =	sne.s32 s14, s23  }
.Ltmp1:
0x117: {  	_ = 	snop;
	(pc) =	sbr.rel @p0 .LBB2_1-.Ltmp1, $3  }
0x118: {  	_ =	sdelay $0x1  }
0x119: {  	[sflag:s18] =	ssyncset.done $0x0  }
0x11a: {  	[sflag:s18] =	ssyncadd.s32 $0xFFFFFB10  }
0x11b: {  	_ =	sfence.sel $0x180000  }
0x11c: {  	[bflag:$0x0] =	sbarrier.arrive $0xFFFF  }
0x11d: {  	_ =	strace $0x90000047  }
0x11e: {  	s0 =	stileid.u32;
	[bflag:$0x2] =	sbarrier.arrive $0xFFFF  }
0x11f: {  	p0 =	sne.s32 s0, $0x0;
	s0 =	rddreg [dreg:$0x5]  }
0x120: {  	s0 =	sadd.s32 @!p0 $0x100000, s0  }
0x121: {  	[sflag:s0] =	ssyncadd.tile.s32 @!p0 $0x1;
	_ =	shalt  }
.Lfunc_end2:
_tile_overlayer_lowered:
.L_overlay_start_2:
0x122: {  	(tag) =	ssettag $0x2  }
0x123: {  	s0 =	rddreg [dreg:$0x0];
	s2 =	stileid.u32  }
0x124: {  	s1 =	rddreg [dreg:$0x1];
	p0 =	sne.s32 s2, $0x0  }
0x125: {  	s3 =	rddreg [dreg:$0x2];
	[bflag:$0x3] =	sbarrier.arrive $0xFFFF;
	s2 =	simm.s32 @!p0 $0x1C09  }
0x126: {  	[timem:s3], [sflag:s2] =	dma.local @!p0 [hbm:s0], s1  }
0x127: {  	s0 =	simm.s32 @!p0 $0x9  }
0x128: {  	_ =	swait.ge @!p0 [sflag:s0], s1  }
0x129: {  	s1 =	ssub.s32 @!p0 $0x0, s1;
	[sflag:s0] =	ssyncset.done @!p0 $0x0  }
0x12a: {  	[sflag:s0] =	ssyncadd.s32 @!p0 s1  }
0x12b: {  	[bflag:$0x3] =	sbarrier.arrive $0xFFFF  }
0x12c: {  	_ =	shalt  }

// kernel: kernel.9.cloned.1.call-start
scs
__scs_entry_jumppad:
0x0: {  	(pc) =	sbr.rel $0x88, $3  }
0x1: {  	(tag) =	ssettag $0x0;
	lr =	simm.s32 $0x1  }
0x2: {  	[smem:$0x3F99] =	sst lr;
	_ =	strace $0xD0000000  }
0x3: {  	_ = 	snop  }
0x4: {  	_ = 	snop  }
0x5: {  	_ = 	snop  }
0x6: {  	_ = 	snop  }
0x7: {  	_ = 	snop  }
__scs_overlays_trampoline_lowered:
0x8: {  	[smem:$0x3FA8] =	sst s0  }
0x9: {  	[smem:$0x3FA9] =	sst s1  }
0xa: {  	[smem:$0x3FAA] =	sst s2  }
0xb: {  	[smem:$0x3FAB] =	sst s3  }
0xc: {  	[smem:$0x3FAC] =	sst s4  }
0xd: {  	[smem:$0x3FAD] =	sst s5  }
0xe: {  	[smem:$0x3FAE] =	sst s6  }
0xf: {  	[smem:$0x3FAF] =	sst s7  }
0x10: {  	[smem:$0x3FB0] =	sst s8  }
0x11: {  	[smem:$0x3FB1] =	sst s9;
	s0 =	simm.s32 @!p0 $0x0  }
0x12: {  	s1 =	sld [smem:$0x3F97];
	s0 =	simm.s32 @p0 $0x1  }
0x13: {  	[smem:$0x3FB2] =	sst s0;
	s0 =	simm.s32 @!p1 $0x0  }
0x14: {  	s2 =	sld [smem:$0x3F96];
	s0 =	simm.s32 @p1 $0x1  }
0x15: {  	[smem:$0x3FB3] =	sst s0;
	s0 =	simm.s32 @!p2 $0x0  }
0x16: {  	s3 =	sld [smem:$0x3FDB];
	s0 =	simm.s32 @p2 $0x1  }
0x17: {  	s4 =	simm.s32 $0x1BF5;
	[smem:$0x3FB5] =	sst s0  }
0x18: {  	s0 =	sld [smem:$0x3F98];
	_ =	swait.ge [sflag:s4], $0x0  }
0x19: {  	s7 =	sld [smem:$0x3F99]  }
0x1a: {  	s8 =	sadd.s32 $0xFFFFE003, lr  }
0x1b: {  	s9 =	sadd.s32 $0xFFFFFEF7, lr;
	s5 =	simm.s32 $0xFFFFFFFF;
	p2 =	slt.u32 s8, $0xFFFFF086  }
0x1c: {  	p1 =	slt.u32 s9, $0xF7A;
	s5 =	simm.s32 @!p2 $0x0  }
0x1d: {  	s5 =	simm.s32 @p1 $0x1;
	p0 =	seq.s32 s7, s2  }
0x1e: {  	s7 =	smul.u32 @!p0 $0xF7A, s2;
	p2 =	seq.s32 @!p0 s5, $0x0  }
0x1f: {  	s9 =	smul.u32 $0xF7A, s1;
	s8 =	simm.s32 @!p0 $0x1BF5;
	p2 =	por !p2, p0  }
0x20: {  	[sflag:s8] =	ssyncset.s32 @!p0 $0xFFFFF086;
	s6 =	sadd.s32 @!p0 s3, s7;
	s7 =	simm.s32 @!p0 $0x108  }
0x21: {  	s3 =	sadd.s32 s3, s9;
	s6 =	sadd.s32 @!p0 $0x88, s6;
	s7 =	simm.s32 @p2 $0x1082  }
0x22: {  	[simem:s7], [sflag:s8] =	dma.local @!p0 [hbm:s6], $0xF7A  }
0x23: {  	s9 =	sor.u32 $0xD0000000, s2;
	s6 =	simm.s32 $0x108;
	_ =	swait.ge @!p0 [sflag:s8], $0x0  }
0x24: {  	s3 =	sadd.s32 $0x88, s3;
	s6 =	simm.s32 @!p1 $0x1082;
	[sflag:s4] =	ssyncset.s32 $0xFFFFF086  }
0x25: {  	[simem:s6], [sflag:s4] =	dma.local [hbm:s3], $0xF7A  }
0x26: {  	[smem:$0x3F99] =	sst s1;
	(tag) =	ssettag s2;
	_ =	strace s9  }
0x27: {  	s1 =	sld [smem:$0x3FA9]  }
0x28: {  	s2 =	sld [smem:$0x3FAA]  }
0x29: {  	s4 =	sld [smem:$0x3FAC]  }
0x2a: {  	p0 =	seq.s32 s5, $0x0;
	s5 =	sld [smem:$0x3FAD]  }
0x2b: {  	s6 =	sld [smem:$0x3FAE]  }
0x2c: {  	s7 =	sld [smem:$0x3FAF]  }
0x2d: {  	s3 =	simm.s32 $0x108;
	s8 =	sld [smem:$0x3FB0]  }
0x2e: {  	s3 =	simm.s32 @!p0 $0x1082;
	s9 =	sld [smem:$0x3FB1]  }
0x2f: {  	lr =	sadd.s32 s0, s3;
	s0 =	sld [smem:$0x3FA8]  }
0x30: {  	s3 =	sld [smem:$0x3FAB]  }
0x31: {  	[smem:$0x3FB4] =	sst s10  }
0x32: {  	s10 =	sld [smem:$0x3FB2];
	_ =	sdelay $0x3  }
0x33: {  	p0 =	seq.s32 s10, $0x1;
	s10 =	sld [smem:$0x3FB4];
	_ =	sdelay $0x3  }
0x34: {  	[smem:$0x3FB4] =	sst s10  }
0x35: {  	s10 =	sld [smem:$0x3FB3];
	_ =	sdelay $0x3  }
0x36: {  	p1 =	seq.s32 s10, $0x1;
	s10 =	sld [smem:$0x3FB4];
	_ =	sdelay $0x3  }
0x37: {  	[smem:$0x3FB4] =	sst s10  }
0x38: {  	s10 =	sld [smem:$0x3FB5]  }
0x39: {  	_ = 	snop;
	(pc) =	sbr.ind lr, $3  }
0x3a: {  	_ = 	snop  }
0x3b: {  	_ = 	snop  }
0x3c: {  	p2 =	seq.s32 s10, $0x1;
	s10 =	sld [smem:$0x3FB4]  }
0x3d: {  	_ =	shalt  }
0x3e: {  	_ =	shalt  }
0x3f: {  	_ =	shalt  }
0x40: {  	_ =	shalt  }
0x41: {  	_ =	shalt  }
0x42: {  	_ =	shalt  }
0x43: {  	_ =	shalt  }
0x44: {  	_ =	shalt  }
0x45: {  	_ =	shalt  }
0x46: {  	_ =	shalt  }
0x47: {  	_ =	shalt  }
0x48: {  	_ =	shalt  }
0x49: {  	_ =	shalt  }
0x4a: {  	_ =	shalt  }
0x4b: {  	_ =	shalt  }
0x4c: {  	_ =	shalt  }
0x4d: {  	_ =	shalt  }
0x4e: {  	_ =	shalt  }
0x4f: {  	_ =	shalt  }
0x50: {  	_ =	shalt  }
0x51: {  	_ =	shalt  }
0x52: {  	_ =	shalt  }
0x53: {  	_ =	shalt  }
0x54: {  	_ =	shalt  }
0x55: {  	_ =	shalt  }
0x56: {  	_ =	shalt  }
0x57: {  	_ =	shalt  }
0x58: {  	_ =	shalt  }
0x59: {  	_ =	shalt  }
0x5a: {  	_ =	shalt  }
0x5b: {  	_ =	shalt  }
0x5c: {  	_ =	shalt  }
0x5d: {  	_ =	shalt  }
0x5e: {  	_ =	shalt  }
0x5f: {  	_ =	shalt  }
0x60: {  	_ =	shalt  }
0x61: {  	_ =	shalt  }
0x62: {  	_ =	shalt  }
0x63: {  	_ =	shalt  }
0x64: {  	_ =	shalt  }
0x65: {  	_ =	shalt  }
0x66: {  	_ =	shalt  }
0x67: {  	_ =	shalt  }
0x68: {  	_ =	shalt  }
0x69: {  	_ =	shalt  }
0x6a: {  	_ =	shalt  }
0x6b: {  	_ =	shalt  }
0x6c: {  	_ =	shalt  }
0x6d: {  	_ =	shalt  }
0x6e: {  	_ =	shalt  }
0x6f: {  	_ =	shalt  }
0x70: {  	_ =	shalt  }
0x71: {  	_ =	shalt  }
0x72: {  	_ =	shalt  }
0x73: {  	_ =	shalt  }
0x74: {  	_ =	shalt  }
0x75: {  	_ =	shalt  }
0x76: {  	_ =	shalt  }
0x77: {  	_ =	shalt  }
0x78: {  	_ =	shalt  }
0x79: {  	_ =	shalt  }
0x7a: {  	_ =	shalt  }
0x7b: {  	_ =	shalt  }
0x7c: {  	_ =	shalt  }
0x7d: {  	_ =	shalt  }
0x7e: {  	_ =	shalt  }
0x7f: {  	_ =	shalt  }
0x80: {  	_ =	shalt  }
0x81: {  	_ =	shalt  }
0x82: {  	_ =	shalt  }
0x83: {  	_ =	shalt  }
0x84: {  	_ =	shalt  }
0x85: {  	_ =	shalt  }
0x86: {  	_ =	shalt  }
0x87: {  	_ =	shalt  }
.Lfunc_end0:
.L_simem_size_0:
called_computation.1_lowered:
.L_overlay_start_0:
0x88: {  	s2 =	sld [smem:$0x3FD9]  }
0x89: {  	s3 =	sld [smem:$0x3FFE];
	_ =	sdelay $0x1  }
0x8a: {  	s1 =	srdreg.scid  }
0x8b: {  	s0 =	sand.u32 $0x1, s1  }
0x8c: {  	s17 =	sshll.u32 s0, $0xA;
	s2 =	sadd.s32 s3, s2  }
0x8d: {  	s2 =	sadd.s32 s2, s17  }
0x8e: {  	[smem:$0x3FC0] =	sst s2  }
0x8f: {  	_ = 	snop  }
0x90: {  	s2 =	sld [smem:$0x3FD0];
	(tm) =	ssettm $0x1  }
0x91: {  	s18 =	sld [smem:$0x3FFB];
	_ =	sdelay $0x3  }
0x92: {  	_ =	strace s18  }
0x93: {  	s3 =	sld [smem:$0x3FFC];
	_ =	sdelay $0x3  }
0x94: {  	_ =	strace s3  }
0x95: {  	s3 =	sld [smem:$0x3FFD];
	_ =	sdelay $0x3  }
0x96: {  	_ =	strace s3  }
0x97: {  	_ =	strace $0x8FFFFFFF  }
0x98: {  	s19 =	sld [smem:$0x3FDB];
	_ =	sdelay $0x1  }
0x99: {  	s4 =	simm.s32 $_scs_section_size  }
0x9a: {  	s5 =	simm.s32 $_size__tile_overlayer_lowered;
	s6 =	simm.s32 $_tile_overlayer_lowered  }
0x9b: {  	s22 =	simm.s32 $0x1BFF;
	s21 =	sshll.u32 s6, $0x1;
	s3 =	sadd.s32 s4, s19  }
0x9c: {  	s7 =	simm.s32 $0x0;
	s20 =	sshll.u32 s5, $0x1;
	s5 =	sadd.s32 s21, s3  }
0x9d: {  	[timem:s7], [sflag:s22] =	dma.local [hbm:s5], s20  }
0x9e: {  	_ =	swait.ge [sflag:s22], s20  }
0x9f: {  	s4 =	ssub.s32 $0x0, s20;
	[sflag:s22] =	ssyncset.done $0x0  }
0xa0: {  	[sflag:s22] =	ssyncadd.s32 s4;
	_ =	sdelay $0x1  }
0xa1: {  	s23 =	simm.s32 $0x1B8B  }
0xa2: {  	_ =	swait.ge [sflag:s23], $0x1  }
0xa3: {  	[sflag:s23] =	ssyncset.done $0x0  }
0xa4: {  	s25 =	simm.s32 $0x1B8E;
	s24 =	sld [smem:$0x3FFE];
	[sflag:s23] =	ssyncadd.s32 $0xFFFFFFFF  }
0xa5: {  	s26 =	simm.s32 $execute0_lowered;
	[smem:$0x3FD2] =	sst s25  }
0xa6: {  	s5 =	sshll.u32 s26, $0x1;
	_ =	strace $0x80000049;
	[dreg:$0x1] =	wrdreg $0xFFFFFFFF  }
0xa7: {  	s28 =	simm.s32 $_size_execute0_lowered;
	s3 =	sadd.s32 s3, s5;
	[dreg:$0x0] =	wrdreg $0x0  }
0xa8: {  	s5 =	sshll.u32 s28, $0x1;
	[dreg:$0x2] =	wrdreg s3  }
0xa9: {  	[dreg:$0x3] =	wrdreg s5  }
0xaa: {  	[dreg:$0x4] =	wrdreg $0xC0  }
0xab: {  	_ =	task [dreg:s7], $0x5FFFF  }
0xac: {  	[dreg:$0x1] =	wrdreg $0xFFFFFFFF  }
0xad: {  	[dreg:$0x0] =	wrdreg $0x60  }
0xae: {  	[dreg:$0x2] =	wrdreg s2  }
0xaf: {  	[dreg:$0x3] =	wrdreg s24  }
0xb0: {  	[dreg:$0x4] =	wrdreg $0x84000  }
0xb1: {  	[dreg:$0x5] =	wrdreg $0x9  }
0xb2: {  	_ =	task.clear_ibuf [dreg:s7], $0x6FFFF;
	_ =	strace $0x90000049  }
0xb3: {  	s29 =	simm.s32 $0x9;
	_ =	strace $0x8000004B  }
0xb4: {  	_ =	swait.ge [sflag:s29], $0x1  }
0xb5: {  	[sflag:s29] =	ssyncadd.s32 $0xFFFFFFFF  }
0xb6: {  	_ =	strace $0x9000004B  }
0xb7: {  	_ =	sfence  }
0xb8: {  	s30 =	sld [smem:$0x0];
	_ =	sdelay $0x2  }
0xb9: {  	s31 =	sshll.u32 s1, $0xD;
	s1 =	sshrl.u32 s1, $0x2  }
0xba: {  	s3 =	sand.u32 $0x4000, s31;
	s1 =	sadd.s32 s1, s30  }
0xbb: {  	s0 =	sor.u32 s3, s0;
	s1 =	sshll.u32 s1, $0x11  }
0xbc: {  	s0 =	sor.u32 s1, s0  }
0xbd: {  	s0 =	sadd.s32 $0x8F2B, s0  }
0xbe: {  	[sflag:s0] =	ssyncadd.remote.s32 $0x1  }
0xbf: {  	_ =	sfence.sel $0xFFFF  }
0xc0: {  	[dreg:$0x0] =	wrdreg $0xFFFFFFFF;
	(pc) =	sbr.abs _section_cstart, $3  }
0xc1: {  	[dreg:$0x1] =	wrdreg $0xFFFFFFFF  }
0xc2: {  	_ =	task.clear_ibuf [dreg:s7], $0x2FFFF;
	_ =	strace $0x9FFFFFFF  }
0xc3: {  	(tm) =	ssettm $0x7FFFFFFF  }
tec
execute0_lowered:
.L_overlay_start_1:
0x0: {  	(tag) =	ssettag $0x1  }
0x1: {  	s1 =	rddreg [dreg:$0x0]  }
0x2: {  	s0 =	rddreg [dreg:$0x1];
	s2 =	srdreg.scid  }
0x3: {  	s12 =	stileid.u32;
	s3 =	rddreg [dreg:$0x2]  }
0x4: {  	s4 =	simm.s32 $0x0;
	s14 =	simm.s32 $0x9;
	s15 =	simm.s32 $0x100  }
0x5: {  	s16 =	simm.s32 $0x200;
	s25 =	simm.s32 $0x180;
	s26 =	simm.s32 $0x280  }
0x6: {  	s28 =	simm.s32 $0x8;
	s29 =	simm.s32 $0x4;
	s30 =	simm.s32 $0x380  }
0x7: {  	s31 =	simm.s32 $0x0;
	s2 =	sand.u32 $0x1, s2;
	s5 =	smul.u32 $0x13C00, s12  }
0x8: {  	[smem:$0x7FF] =	sst s4;
	s8 =	sadd.s32 $0x2600, s0;
	s7 =	sadd.s32 $0x16E00, s0  }
0x9: {  	s17 =	smul.u32 $0xA0, s12;
	s10 =	sshll.u32 s12, $0x1;
	s20 =	sshll.u32 s12, $0x6  }
0xa: {  	s6 =	smul.u32 $0x13C000, s2;
	_ =	strace $0x8000004A;
	[dreg:$0x8] =	wrdreg s7  }
0xb: {  	s9 =	ssub.s32 $0x2, s2;
	s11 =	smul.u32 $0x50, s2;
	[dreg:$0x6] =	wrdreg s25  }
0xc: {  	s2 =	sor.u32 s2, s10;
	[dreg:$0x7] =	wrdreg s26;
	s25 =	simm.s32 $0x3  }
0xd: {  	s26 =	simm.s32 $0x6;
	s18 =	sshrl.u32 s9, $0x1;
	s2 =	smul.u32 $0xA00, s2  }
0xe: {  	s6 =	sadd.s32 s5, s6;
	s9 =	ssub.s32 s9, s18;
	s19 =	sadd.s32 s11, s17  }
0xf: {  	s5 =	sadd.s32 s5, s3;
	s17 =	simm.s32 $0x1;
	s18 =	simm.s32 $0x80  }
0x10: {  	s6 =	sshrl.u32 s6, $0x3;
	s21 =	sshll.u32 s19, $0x5;
	s7 =	sadd.s32 s8, s2  }
0x11: {  	s12 =	smax.u32 s9, $0x1;
	s13 =	sshrl.u32 s5, $0x3;
	s19 =	simm.s32 $0x400  }
0x12: {  	s0 =	sadd.s32 s6, s0;
	s6 =	sor.u32 $0x1C09, s20;
	s2 =	sadd.s32 $0x20, s7  }
0x13: {  	s8 =	sadd.s32 s21, s8;
	s22 =	sadd.s32 $0x40, s7;
	[dreg:$0x9] =	wrdreg s2  }
0x14: {  	s20 =	simm.s32 $0x300;
	[dreg:$0xa] =	wrdreg s22;
	s0 =	sadd.s32 $0x19600, s0  }
0x15: {  	s21 =	simm.s32 $0x2;
	s23 =	sadd.s32 $0xC0, s8;
	[dreg:$0xb] =	wrdreg s0  }
0x16: {  	s24 =	sadd.s32 $0x80, s8;
	s22 =	simm.s32 $0x4400;
	[dreg:$0x4] =	wrdreg s23  }
0x17: {  	[dreg:$0x5] =	wrdreg s24;
	s23 =	simm.s32 $0x5;
	s24 =	simm.s32 $0x7  }
.LBB2_1:
0x18: {  	s0 =	rddreg [dreg:$0x8]  }
0x19: {  	[spmem:s13], [sflag:s6] =	dma.local [hbm:s0], $0x2780  }
0x1a: {  	_ =	swait.ge [sflag:s14], $0x2780  }
0x1b: {  	[sflag:s14] =	ssyncset.done $0x0  }
0x1c: {  	[sflag:s14] =	ssyncadd.s32 $0xFFFFD880  }
0x1d: {  	[bflag:$0x0] =	sbarrier.arrive $0xFFFF  }
0x1e: {  	[tilespmem:s4], [sflag:$0x1] =	stream.linear.gather [hbm4b:s7+s4], $0x100, $0x38;
	[tilespmem:$0x1C000] =	vst v63  }
0x1f: {  	s2 =	rddreg [dreg:$0x9]  }
0x20: {  	[tilespmem:s15], [sflag:$0x2] =	stream.linear.gather [hbm4b:s2+s4], $0x100, $0x38;
	[tilespmem:$0x1C000] =	vst v63  }
0x21: {  	s5 =	rddreg [dreg:$0xa]  }
0x22: {  	[tilespmem:s16], [sflag:$0x3] =	stream.linear.gather [hbm4b:s5+s4], $0x100, $0x38;
	[tilespmem:$0x1C000] =	vst v63  }
0x23: {  	_ =	swait.ge [sflag:s17], $0x100  }
0x24: {  	p0 =	por $0x1, $0x1;
	[sflag:s17] =	ssyncset.done $0x0  }
0x25: {  	s0 =	simm.s32 @!p0 $0x8;
	[sflag:s17] =	ssyncadd.s32 $0xFFFFFF00  }
0x26: {  	[tilespmem:s19], [sflag:$0x5] =	stream.indirect.gather [hbm4b:s1+s18], $0x80, s4, s18, $0xb8;
	[tilespmem:$0x1C000] =	vst v63  }
0x27: {  	_ =	swait.ge @!p0 [sflag:s0], $0x4000  }
0x28: {  	s2 =	sadd.s32 $0x0, s8;
	[sflag:s0] =	ssyncset.done @!p0 $0x0  }
0x29: {  	s9 =	sadd.s32 $0x60, s2;
	[sflag:s0] =	ssyncadd.s32 @!p0 $0xFFFFC000  }
0x2a: {  	[tilespmem:s20], [sflag:$0x4] =	stream.linear.gather [hbm4b:s9+s4], $0x100, $0x38;
	[tilespmem:$0x1C000] =	vst v63  }
0x2b: {  	_ =	swait.ge [sflag:s21], $0x100  }
0x2c: {  	[sflag:s21] =	ssyncset.done $0x0  }
0x2d: {  	[sflag:s21] =	ssyncadd.s32 $0xFFFFFF00  }
0x2e: {  	[tilespmem:s22], [sflag:$0x6] =	stream.indirect.gather [hbm4b:s1+s18], $0x80, s15, s18, $0xb8;
	[tilespmem:$0x1C000] =	vst v63  }
0x2f: {  	_ =	swait.ge [sflag:s23], $0x4000  }
0x30: {  	[sflag:s23] =	ssyncset.done $0x0  }
0x31: {  	[sflag:s23] =	ssyncadd.s32 $0xFFFFC000  }
0x32: {  	[spmem:s3] =	stream.indirect.scatter.add.f32 [tilespmem:s19], [sflag:$0x7], $0x80, s18, s18, $0xb8;
	[tilespmem:$0x1C000] =	vst v63  }
0x33: {  	_ =	swait.ge [sflag:s24], $0x4000  }
0x34: {  	p0 =	por $0x0, $0x0;
	s0 =	rddreg [dreg:$0x5];
	[sflag:s24] =	ssyncset.done $0x0  }
0x35: {  	s2 =	simm.s32 @!p0 $0x0;
	[sflag:s24] =	ssyncadd.s32 $0xFFFFC000;
	s0 =	sadd.s32 @!p0 $0x0, s0  }
0x36: {  	[tilespmem:s2], [sflag:$0x1] =	stream.linear.gather @!p0 [hbm4b:s0+s2], $0x100, $0x38;
	[tilespmem:$0x1C000] =	vst v63  }
0x37: {  	_ =	swait.ge [sflag:s25], $0x100  }
0x38: {  	[sflag:s25] =	ssyncset.done $0x0  }
0x39: {  	[sflag:s25] =	ssyncadd.s32 $0xFFFFFF00  }
0x3a: {  	[tilespmem:s19], [sflag:$0x5] =	stream.indirect.gather [hbm4b:s1+s18], $0x80, s16, s18, $0xb8;
	[tilespmem:$0x1C000] =	vst v63  }
0x3b: {  	_ =	swait.ge [sflag:s26], $0x4000  }
0x3c: {  	[sflag:s26] =	ssyncset.done $0x0  }
0x3d: {  	s10 =	rddreg [dreg:$0x6];
	[sflag:s26] =	ssyncadd.s32 $0xFFFFC000  }
0x3e: {  	[spmem:s3] =	stream.indirect.scatter.add.f32 [tilespmem:s22], [sflag:$0x8], $0x80, s10, s18, $0xb8;
	[tilespmem:$0x1C000] =	vst v63  }
0x3f: {  	_ =	swait.ge [sflag:s28], $0x4000  }
0x40: {  	s0 =	sadd.s32 @!p0 $0x0, s8;
	[sflag:s28] =	ssyncset.done $0x0  }
0x41: {  	s5 =	simm.s32 @!p0 $0x100;
	s0 =	sadd.s32 @!p0 $0xA0, s0;
	[sflag:s28] =	ssyncadd.s32 $0xFFFFC000  }
0x42: {  	[tilespmem:s5], [sflag:$0x2] =	stream.linear.gather @!p0 [hbm4b:s0+s2], $0x100, $0x38;
	[tilespmem:$0x1C000] =	vst v63  }
0x43: {  	_ =	swait.ge [sflag:s29], $0x100  }
0x44: {  	[sflag:s29] =	ssyncset.done $0x0  }
0x45: {  	[sflag:s29] =	ssyncadd.s32 $0xFFFFFF00  }
0x46: {  	[tilespmem:s22], [sflag:$0x6] =	stream.indirect.gather [hbm4b:s1+s18], $0x80, s20, s18, $0xb8;
	[tilespmem:$0x1C000] =	vst v63  }
0x47: {  	_ =	swait.ge [sflag:s23], $0x4000  }
0x48: {  	[sflag:s23] =	ssyncset.done $0x0  }
0x49: {  	s11 =	rddreg [dreg:$0x7];
	[sflag:s23] =	ssyncadd.s32 $0xFFFFC000  }
0x4a: {  	[spmem:s3] =	stream.indirect.scatter.add.f32 [tilespmem:s19], [sflag:$0x7], $0x80, s11, s18, $0xb8;
	[tilespmem:$0x1C000] =	vst v63  }
0x4b: {  	_ =	swait.ge [sflag:s24], $0x4000  }
0x4c: {  	s0 =	rddreg [dreg:$0x4];
	[sflag:s24] =	ssyncset.done $0x0  }
0x4d: {  	s5 =	simm.s32 @!p0 $0x200;
	[sflag:s24] =	ssyncadd.s32 $0xFFFFC000;
	s0 =	sadd.s32 @!p0 $0x0, s0  }
0x4e: {  	[tilespmem:s5], [sflag:$0x3] =	stream.linear.gather @!p0 [hbm4b:s0+s2], $0x100, $0x38;
	[tilespmem:$0x1C000] =	vst v63  }
0x4f: {  	s0 =	simm.s32 @!p0 $0x1  }
0x50: {  	_ =	swait.ge @!p0 [sflag:s0], $0x100  }
0x51: {  	[sflag:s0] =	ssyncset.done @!p0 $0x0  }
0x52: {  	s5 =	simm.s32 @!p0 $0x400;
	[sflag:s0] =	ssyncadd.s32 @!p0 $0xFFFFFF00;
	s0 =	simm.s32 @!p0 $0x80  }
0x53: {  	[tilespmem:s5], [sflag:$0x5] =	stream.indirect.gather @!p0 [hbm4b:s1+s0], $0x80, s2, s0, $0xb8;
	[tilespmem:$0x1C000] =	vst v63  }
0x54: {  	p1 =	por $0x0, $0x0;
	_ =	swait.ge [sflag:s26], $0x4000  }
0x55: {  	s2 =	simm.s32 $0x80;
	s0 =	simm.s32 $0x100;
	[sflag:s26] =	ssyncset.done $0x0  }
.LBB2_2:
0x56: {  	s9 =	simm.s32 @!p1 $0x8;
	[sflag:s26] =	ssyncadd.s32 $0xFFFFC000  }
0x57: {  	[spmem:s3] =	stream.indirect.scatter.add.f32 [tilespmem:s22], [sflag:$0x8], $0x80, s30, s18, $0xb8;
	[tilespmem:$0x1C000] =	vst v63  }
0x58: {  	_ =	swait.ge @!p1 [sflag:s9], $0x4000  }
0x59: {  	s10 =	sadd.s32 s2, s8;
	[sflag:s9] =	ssyncset.done @!p1 $0x0  }
0x5a: {  	s10 =	sadd.s32 $0x60, s10;
	[sflag:s9] =	ssyncadd.s32 @!p1 $0xFFFFC000  }
0x5b: {  	[tilespmem:s20], [sflag:$0x4] =	stream.linear.gather [hbm4b:s10+s4], $0x100, $0x38;
	[tilespmem:$0x1C000] =	vst v63  }
0x5c: {  	_ =	swait.ge [sflag:s21], $0x100  }
0x5d: {  	[sflag:s21] =	ssyncset.done $0x0  }
0x5e: {  	[sflag:s21] =	ssyncadd.s32 $0xFFFFFF00  }
0x5f: {  	[tilespmem:s22], [sflag:$0x6] =	stream.indirect.gather [hbm4b:s1+s18], $0x80, s15, s18, $0xb8;
	[tilespmem:$0x1C000] =	vst v63  }
0x60: {  	_ =	swait.ge [sflag:s23], $0x4000  }
0x61: {  	[sflag:s23] =	ssyncset.done $0x0  }
0x62: {  	[sflag:s23] =	ssyncadd.s32 $0xFFFFC000  }
0x63: {  	[spmem:s3] =	stream.indirect.scatter.add.f32 [tilespmem:s19], [sflag:$0x7], $0x80, s18, s18, $0xb8;
	[tilespmem:$0x1C000] =	vst v63  }
0x64: {  	_ =	swait.ge [sflag:s24], $0x4000  }
0x65: {  	p1 =	seq.s32 s2, $0x980;
	s9 =	rddreg [dreg:$0x5];
	[sflag:s24] =	ssyncset.done $0x0  }
0x66: {  	[sflag:s24] =	ssyncadd.s32 $0xFFFFC000;
	s10 =	sadd.s32 @!p1 s2, s9;
	s9 =	simm.s32 @!p1 $0x0  }
0x67: {  	[tilespmem:s9], [sflag:$0x1] =	stream.linear.gather @!p1 [hbm4b:s10+s9], $0x100, $0x38;
	[tilespmem:$0x1C000] =	vst v63  }
0x68: {  	_ =	swait.ge [sflag:s25], $0x100  }
0x69: {  	[sflag:s25] =	ssyncset.done $0x0  }
0x6a: {  	[sflag:s25] =	ssyncadd.s32 $0xFFFFFF00  }
0x6b: {  	[tilespmem:s19], [sflag:$0x5] =	stream.indirect.gather [hbm4b:s1+s18], $0x80, s16, s18, $0xb8;
	[tilespmem:$0x1C000] =	vst v63  }
0x6c: {  	_ =	swait.ge [sflag:s26], $0x4000  }
0x6d: {  	[sflag:s26] =	ssyncset.done $0x0  }
0x6e: {  	s11 =	rddreg [dreg:$0x6];
	[sflag:s26] =	ssyncadd.s32 $0xFFFFC000  }
0x6f: {  	[spmem:s3] =	stream.indirect.scatter.add.f32 [tilespmem:s22], [sflag:$0x8], $0x80, s11, s18, $0xb8;
	[tilespmem:$0x1C000] =	vst v63  }
0x70: {  	_ =	swait.ge [sflag:s28], $0x4000  }
0x71: {  	s10 =	sadd.s32 @!p1 s2, s8;
	[sflag:s28] =	ssyncset.done $0x0  }
0x72: {  	s10 =	sadd.s32 @!p1 $0xA0, s10;
	s11 =	simm.s32 @!p1 $0x100;
	[sflag:s28] =	ssyncadd.s32 $0xFFFFC000  }
0x73: {  	[tilespmem:s11], [sflag:$0x2] =	stream.linear.gather @!p1 [hbm4b:s10+s9], $0x100, $0x38;
	[tilespmem:$0x1C000] =	vst v63  }
0x74: {  	_ =	swait.ge [sflag:s29], $0x100  }
0x75: {  	[sflag:s29] =	ssyncset.done $0x0  }
0x76: {  	[sflag:s29] =	ssyncadd.s32 $0xFFFFFF00  }
0x77: {  	[tilespmem:s22], [sflag:$0x6] =	stream.indirect.gather [hbm4b:s1+s18], $0x80, s20, s18, $0xb8;
	[tilespmem:$0x1C000] =	vst v63  }
0x78: {  	_ =	swait.ge [sflag:s23], $0x4000  }
0x79: {  	[sflag:s23] =	ssyncset.done $0x0  }
0x7a: {  	s11 =	rddreg [dreg:$0x7];
	[sflag:s23] =	ssyncadd.s32 $0xFFFFC000  }
0x7b: {  	[spmem:s3] =	stream.indirect.scatter.add.f32 [tilespmem:s19], [sflag:$0x7], $0x80, s11, s18, $0xb8;
	[tilespmem:$0x1C000] =	vst v63  }
0x7c: {  	s5 =	smov.u32 s0;
	s0 =	sadd.s32 $0x80, s0;
	_ =	swait.ge [sflag:s24], $0x4000  }
0x7d: {  	s11 =	simm.s32 @!p1 $0x1;
	s10 =	rddreg [dreg:$0x4];
	[sflag:s24] =	ssyncset.done $0x0  }
0x7e: {  	[sflag:s24] =	ssyncadd.s32 $0xFFFFC000;
	s2 =	sadd.s32 @!p1 s2, s10;
	s10 =	simm.s32 @!p1 $0x200  }
0x7f: {  	[tilespmem:s10], [sflag:$0x3] =	stream.linear.gather @!p1 [hbm4b:s2+s9], $0x100, $0x38;
	[tilespmem:$0x1C000] =	vst v63  }
0x80: {  	p0 =	sne.s32 s0, $0xA00;
	_ =	swait.ge @!p1 [sflag:s11], $0x100  }
.Ltmp0:
0x81: {  	s2 =	smov.u32 s5;
	[sflag:s11] =	ssyncset.done @!p1 $0x0;
	(pc) =	sbr.rel @p0 .LBB2_2-.Ltmp0, $4  }
0x82: {  	s5 =	simm.s32 @!p1 $0x80;
	s10 =	simm.s32 @!p1 $0x400;
	[sflag:s11] =	ssyncadd.s32 @!p1 $0xFFFFFF00  }
0x83: {  	[tilespmem:s10], [sflag:$0x5] =	stream.indirect.gather @!p1 [hbm4b:s1+s5], $0x80, s9, s5, $0xb8;
	[tilespmem:$0x1C000] =	vst v63  }
0x84: {  	_ =	swait.ge [sflag:s26], $0x4000  }
0x85: {  	p1 =	seq.s32 s2, $0x0;
	[sflag:s26] =	ssyncset.done $0x0  }
0x86: {  	s0 =	simm.s32 @!p1 $0x8;
	[sflag:s26] =	ssyncadd.s32 $0xFFFFC000  }
0x87: {  	[spmem:s3] =	stream.indirect.scatter.add.f32 [tilespmem:s22], [sflag:$0x8], $0x80, s30, s18, $0xb8;
	[tilespmem:$0x1C000] =	vst v63  }
0x88: {  	_ =	swait.ge @!p1 [sflag:s0], $0x4000  }
0x89: {  	s5 =	sadd.s32 s2, s8;
	[sflag:s0] =	ssyncset.done @!p1 $0x0  }
0x8a: {  	s5 =	sadd.s32 $0x60, s5;
	[sflag:s0] =	ssyncadd.s32 @!p1 $0xFFFFC000  }
0x8b: {  	[tilespmem:s20], [sflag:$0x4] =	stream.linear.gather [hbm4b:s5+s4], $0x100, $0x38;
	[tilespmem:$0x1C000] =	vst v63  }
0x8c: {  	_ =	swait.ge [sflag:s21], $0x100  }
0x8d: {  	[sflag:s21] =	ssyncset.done $0x0  }
0x8e: {  	[sflag:s21] =	ssyncadd.s32 $0xFFFFFF00  }
0x8f: {  	[tilespmem:s22], [sflag:$0x6] =	stream.indirect.gather [hbm4b:s1+s18], $0x80, s15, s18, $0xb8;
	[tilespmem:$0x1C000] =	vst v63  }
0x90: {  	_ =	swait.ge [sflag:s23], $0x4000  }
0x91: {  	[sflag:s23] =	ssyncset.done $0x0  }
0x92: {  	[sflag:s23] =	ssyncadd.s32 $0xFFFFC000  }
0x93: {  	[spmem:s3] =	stream.indirect.scatter.add.f32 [tilespmem:s19], [sflag:$0x7], $0x80, s18, s18, $0xb8;
	[tilespmem:$0x1C000] =	vst v63  }
0x94: {  	_ =	swait.ge [sflag:s24], $0x4000  }
0x95: {  	p0 =	seq.s32 s2, $0x980;
	s0 =	rddreg [dreg:$0x5];
	[sflag:s24] =	ssyncset.done $0x0  }
0x96: {  	s5 =	simm.s32 @!p0 $0x0;
	[sflag:s24] =	ssyncadd.s32 $0xFFFFC000;
	s0 =	sadd.s32 @!p0 s2, s0  }
0x97: {  	[tilespmem:s5], [sflag:$0x1] =	stream.linear.gather @!p0 [hbm4b:s0+s5], $0x100, $0x38;
	[tilespmem:$0x1C000] =	vst v63  }
0x98: {  	_ =	swait.ge [sflag:s25], $0x100  }
0x99: {  	[sflag:s25] =	ssyncset.done $0x0  }
0x9a: {  	[sflag:s25] =	ssyncadd.s32 $0xFFFFFF00  }
0x9b: {  	[tilespmem:s19], [sflag:$0x5] =	stream.indirect.gather [hbm4b:s1+s18], $0x80, s16, s18, $0xb8;
	[tilespmem:$0x1C000] =	vst v63  }
0x9c: {  	_ =	swait.ge [sflag:s26], $0x4000  }
0x9d: {  	[sflag:s26] =	ssyncset.done $0x0  }
0x9e: {  	s9 =	rddreg [dreg:$0x6];
	[sflag:s26] =	ssyncadd.s32 $0xFFFFC000  }
0x9f: {  	[spmem:s3] =	stream.indirect.scatter.add.f32 [tilespmem:s22], [sflag:$0x8], $0x80, s9, s18, $0xb8;
	[tilespmem:$0x1C000] =	vst v63  }
0xa0: {  	_ =	swait.ge [sflag:s28], $0x4000  }
0xa1: {  	s0 =	sadd.s32 @!p0 s2, s8;
	[sflag:s28] =	ssyncset.done $0x0  }
0xa2: {  	s0 =	sadd.s32 @!p0 $0xA0, s0;
	s9 =	simm.s32 @!p0 $0x100;
	[sflag:s28] =	ssyncadd.s32 $0xFFFFC000  }
0xa3: {  	[tilespmem:s9], [sflag:$0x2] =	stream.linear.gather @!p0 [hbm4b:s0+s5], $0x100, $0x38;
	[tilespmem:$0x1C000] =	vst v63  }
0xa4: {  	_ =	swait.ge [sflag:s29], $0x100  }
0xa5: {  	[sflag:s29] =	ssyncset.done $0x0  }
0xa6: {  	[sflag:s29] =	ssyncadd.s32 $0xFFFFFF00  }
0xa7: {  	[tilespmem:s22], [sflag:$0x6] =	stream.indirect.gather [hbm4b:s1+s18], $0x80, s20, s18, $0xb8;
	[tilespmem:$0x1C000] =	vst v63  }
0xa8: {  	_ =	swait.ge [sflag:s23], $0x4000  }
0xa9: {  	[sflag:s23] =	ssyncset.done $0x0  }
0xaa: {  	s10 =	rddreg [dreg:$0x7];
	[sflag:s23] =	ssyncadd.s32 $0xFFFFC000  }
0xab: {  	[spmem:s3] =	stream.indirect.scatter.add.f32 [tilespmem:s19], [sflag:$0x7], $0x80, s10, s18, $0xb8;
	[tilespmem:$0x1C000] =	vst v63  }
0xac: {  	_ =	swait.ge [sflag:s24], $0x4000  }
0xad: {  	s0 =	rddreg [dreg:$0x4];
	[sflag:s24] =	ssyncset.done $0x0  }
0xae: {  	[sflag:s24] =	ssyncadd.s32 $0xFFFFC000;
	s0 =	sadd.s32 @!p0 s2, s0;
	s2 =	simm.s32 @!p0 $0x200  }
0xaf: {  	[tilespmem:s2], [sflag:$0x3] =	stream.linear.gather @!p0 [hbm4b:s0+s5], $0x100, $0x38;
	[tilespmem:$0x1C000] =	vst v63  }
0xb0: {  	s0 =	simm.s32 @!p0 $0x1  }
0xb1: {  	_ =	swait.ge @!p0 [sflag:s0], $0x100  }
0xb2: {  	[sflag:s0] =	ssyncset.done @!p0 $0x0  }
0xb3: {  	s2 =	simm.s32 @!p0 $0x400;
	[sflag:s0] =	ssyncadd.s32 @!p0 $0xFFFFFF00;
	s0 =	simm.s32 @!p0 $0x80  }
0xb4: {  	[tilespmem:s2], [sflag:$0x5] =	stream.indirect.gather @!p0 [hbm4b:s1+s0], $0x80, s5, s0, $0xb8;
	[tilespmem:$0x1C000] =	vst v63  }
0xb5: {  	_ =	swait.ge [sflag:s26], $0x4000  }
0xb6: {  	[sflag:s26] =	ssyncset.done $0x0  }
0xb7: {  	[sflag:s26] =	ssyncadd.s32 $0xFFFFC000  }
0xb8: {  	[spmem:s3] =	stream.indirect.scatter.add.f32 [tilespmem:s22], [sflag:$0x8], $0x80, s30, s18, $0xb8;
	[tilespmem:$0x1C000] =	vst v63  }
0xb9: {  	_ =	swait.ge [sflag:s28], $0x4000  }
0xba: {  	[sflag:s28] =	ssyncset.done $0x0  }
0xbb: {  	s31 =	sadd.s32 $0x1, s31;
	[sflag:s28] =	ssyncadd.s32 $0xFFFFC000  }
0xbc: {  	p0 =	sne.s32 s31, s12;
	[bflag:$0x0] =	sbarrier.arrive $0xFFFF  }
.Ltmp1:
0xbd: {  	s11 =	rddreg [dreg:$0xb];
	(pc) =	sbr.rel @p0 .LBB2_1-.Ltmp1, $4  }
0xbe: {  	[hbm:s11], [sflag:s6] =	dma.local [spmem:s13], $0x2780  }
0xbf: {  	_ =	swait.ge [sflag:s14], $0x2780  }
0xc0: {  	[sflag:s14] =	ssyncset.done $0x0  }
0xc1: {  	[sflag:s14] =	ssyncadd.s32 $0xFFFFD880  }
0xc2: {  	_ =	sfence.sel $0x180000  }
0xc3: {  	[bflag:$0x0] =	sbarrier.arrive $0xFFFF  }
0xc4: {  	_ =	strace $0x9000004A  }
0xc5: {  	s0 =	stileid.u32;
	[bflag:$0x2] =	sbarrier.arrive $0xFFFF  }
0xc6: {  	p0 =	sne.s32 s0, $0x0;
	s0 =	rddreg [dreg:$0x3]  }
0xc7: {  	s0 =	sadd.s32 @!p0 $0x100000, s0  }
0xc8: {  	[sflag:s0] =	ssyncadd.tile.s32 @!p0 $0x1;
	_ =	shalt  }
.Lfunc_end2:
_tile_overlayer_lowered:
.L_overlay_start_2:
0xc9: {  	(tag) =	ssettag $0x2  }
0xca: {  	s0 =	rddreg [dreg:$0x0];
	s2 =	stileid.u32  }
0xcb: {  	s1 =	rddreg [dreg:$0x1];
	p0 =	sne.s32 s2, $0x0  }
0xcc: {  	s3 =	rddreg [dreg:$0x2];
	[bflag:$0x3] =	sbarrier.arrive $0xFFFF;
	s2 =	simm.s32 @!p0 $0x1C09  }
0xcd: {  	[timem:s3], [sflag:s2] =	dma.local @!p0 [hbm:s0], s1  }
0xce: {  	s0 =	simm.s32 @!p0 $0x9  }
0xcf: {  	_ =	swait.ge @!p0 [sflag:s0], s1  }
0xd0: {  	s1 =	ssub.s32 @!p0 $0x0, s1;
	[sflag:s0] =	ssyncset.done @!p0 $0x0  }
0xd1: {  	[sflag:s0] =	ssyncadd.s32 @!p0 s1  }
0xd2: {  	[bflag:$0x3] =	sbarrier.arrive $0xFFFF  }
0xd3: {  	_ =	shalt  }

</sc_bundles>
